<compile_context>
chip_gen: v7x
topology: tpu7x:2x2x1
jax: 0.10.2.dev20260603
libtpu: 0.0.44.dev20260713+nightly
codegen_flags: <defaults>
</compile_context>

<pallas_src>
import functools

import jax
import jax.numpy as jnp
from jax import lax
from jax.experimental import pallas as pl
from jax.experimental.pallas import tpu as pltpu, tpu_sc as plsc

_EPS = 1e-5


def _vq_tc_body(x_ref, w_ref, idx_ref, loss_ref):
    G, TB, C = x_ref.shape
    x = x_ref[...].reshape(G * TB, C)
    w = w_ref[...]
    T, C = x.shape
    K = w.shape[0]
    w2 = jnp.sum(w * w, axis=1)
    x2 = jnp.sum(x * x, axis=1)
    s = lax.dot_general(x, w, (((1,), (1,)), ((), ())),
                        preferred_element_type=jnp.float32)
    d2 = x2[:, None] + w2[None, :] - 2.0 * s
    idx = jnp.argmin(d2, axis=1).astype(jnp.int32)
    d2m = jnp.min(d2, axis=1)
    oh = lax.broadcasted_iota(jnp.int32, (T, K), 1) == idx[:, None]
    w2s = jnp.sum(jnp.where(oh, w2[None, :], 0.0), axis=1)
    qx = 0.5 * (x2 + w2s - d2m)
    nx = jnp.maximum(jnp.sqrt(x2), _EPS)
    nq = jnp.maximum(jnp.sqrt(w2s), _EPS)
    sse = w2s / (nq * nq) + x2 / (nx * nx) - 2.0 * qx / (nq * nx)
    lsum = jnp.sum(sse.reshape(G, TB), axis=1) * (1.0 / (TB * C))
    loss_ref[...] = jnp.broadcast_to(lsum[:, None, None], (G, 1, 128))
    i = pl.program_id(0)
    idx_ref[pl.ds(i * T, T)] = idx


def _vq_scores(x, W, off, nb, G=2):
    B, T, C = x.shape
    K = W.shape[0]
    assert nb % G == 0 and off % G == 0
    return pl.pallas_call(
        _vq_tc_body,
        grid=(nb // G,),
        in_specs=[
            pl.BlockSpec((G, T, C), lambda i: (i + off // G, 0, 0)),
            pl.BlockSpec((K, C), lambda i: (0, 0)),
        ],
        out_specs=[
            pl.BlockSpec((nb * T,), lambda i: (0,)),
            pl.BlockSpec((G, 1, 128), lambda i: (i, 0, 0)),
        ],
        out_shape=[
            jax.ShapeDtypeStruct((nb * T,), jnp.int32),
            jax.ShapeDtypeStruct((nb, 1, 128), jnp.float32),
        ],
    )(x, W)


def _sc_gather(W, idx_flat, n_out, row0):
    N = idx_flat.shape[0]
    K, C = W.shape
    info = plsc.get_sparse_core_info()
    nw = info.num_cores * info.num_subcores
    assert N % (8 * nw) == 0 and row0 % 8 == 0, (N, nw, row0)
    b_per_w = N // nw
    mesh = plsc.VectorSubcoreMesh(core_axis_name="c", subcore_axis_name="s")

    @functools.partial(
        pl.kernel, mesh=mesh,
        out_type=jax.ShapeDtypeStruct((n_out, C), jnp.float32),
        scratch_types=[
            pltpu.VMEM((b_per_w,), jnp.int32),
            pltpu.VMEM((b_per_w, C), jnp.float32),
            pltpu.SemaphoreType.DMA,
        ],
    )
    def gather_k(table_hbm, idx_hbm, out_hbm, idx_v, rows_v, sem):
        wid = lax.axis_index("s") * info.num_cores + lax.axis_index("c")
        base = wid * b_per_w
        pltpu.sync_copy(idx_hbm.at[pl.ds(base, b_per_w)], idx_v)
        pltpu.async_copy(table_hbm.at[idx_v], rows_v, sem).wait()
        pltpu.sync_copy(rows_v, out_hbm.at[pl.ds(row0 + base, b_per_w)])

    return gather_k(W, idx_flat)


def kernel(x, W):
    B, T, C = x.shape
    h = B // 2
    idx_a, loss_a = _vq_scores(x, W, 0, h)
    q_full = _sc_gather(W, idx_a, B * T, 0)
    idx_b, loss_b = _vq_scores(x, W, h, B - h)
    q_b = _sc_gather(W, idx_b, (B - h) * T, 0)
    quant = lax.dynamic_update_slice(q_full, q_b, (h * T, 0))
    loss = jnp.concatenate([loss_a, loss_b], axis=0)[:, 0, 0]
    quant_st = quant.reshape(B, T, C)
    indices = jnp.concatenate([idx_a, idx_b], axis=0).reshape(B, T)
    return quant_st, loss, loss, indices

# --- scband reference (transcript-rebuilt; emitter-appended) ---
"""Pipeline reference for scband-quantizer1d-15547781611764 (READ-ONLY COPY).

The authoritative reference and input builder live on the scoring server;
editing this copy changes nothing except your own understanding.
"""

import jax, jax.numpy as jnp
import numpy as np


def _normalize(v, eps=1e-5):
    n = jnp.linalg.norm(v, ord=2, axis=-1, keepdims=True)
    return v / jnp.maximum(n, eps)


def setup_inputs(seed: int = 0) -> dict:
    key = jax.random.key(seed)
    k1, k2 = jax.random.split(key)
    x = jax.random.normal(k1, (16, 576, 256), dtype=jnp.float32)
    W = jax.random.normal(k2, (1024, 256), dtype=jnp.float32)
    return {"x": x, "W": W}


def reference(x, W):
    B, T, C = x.shape
    # cdist(x, W) pairwise L2 distances; argmin over codebook.
    # Use the expansion ||x-w||^2 = ||x||^2 + ||w||^2 - 2 x.w (same argmin as cdist).
    x2 = jnp.sum(x * x, axis=-1, keepdims=True)            # [B,T,1]
    w2 = jnp.sum(W * W, axis=-1)                            # [K]
    d2 = x2 + w2[None, None, :] - 2.0 * jnp.einsum('btc,kc->btk', x, W)
    min_encoding_indices = jnp.argmin(d2, axis=-1)          # [B,T]
    quant_out = jnp.take(W, min_encoding_indices.reshape(-1), axis=0).reshape(B, T, C)
    x_norm = _normalize(x)
    quant_norm = _normalize(quant_out)
    commitment_loss = jnp.mean((jax.lax.stop_gradient(quant_norm) - x_norm) ** 2, axis=(1, 2))
    codebook_loss = jnp.mean((quant_norm - jax.lax.stop_gradient(x_norm)) ** 2, axis=(1, 2))
    # straight-through estimator
    quant_st = x + jax.lax.stop_gradient(quant_out - x)
    min_encoding_indices = min_encoding_indices.reshape(B, -1)
    return quant_st, codebook_loss, commitment_loss, min_encoding_indices

if __name__ == "__main__":
    import jax
    _d = setup_inputs()
    print(jax.jit(kernel)(*tuple(_d.values())))

</pallas_src>

<mosaic_0001>
#map = affine_map<(d0, d1) -> (0, 0)>
#map1 = affine_map<(d0, d1) -> (0)>
module attributes {stable_mosaic.version = 14 : i64} {
  func.func @gather_k(%arg0: i32, %arg1: i32, %arg2: memref<1024x256xf32, #tpu.memory_space<hbm>>, %arg3: memref<4608xi32, #tpu.memory_space<hbm>>, %arg4: memref<9216x256xf32, #tpu.memory_space<hbm>>, %arg5: memref<144xi32, #tpu.memory_space<vmem>>, %arg6: memref<144x256xf32, #tpu.memory_space<vmem>>, %arg7: memref<!tpu.dma_semaphore, #tpu.memory_space<semaphore_mem>>) attributes {dimension_semantics = [#tpu.dimension_semantics<core_parallel>, #tpu.dimension_semantics<subcore_parallel>], iteration_bounds = array<i64: 2, 16>, scalar_prefetch = 0 : i64, scratch_operands = 3 : i64, tpu.core_type = #tpu.core_type<sc_vector_subcore>, window_params = [{transform_indices = #map}, {transform_indices = #map1}, {transform_indices = #map}]} {
    %mul3A = arith.constant 2 : i32
    %mul3A_0 = arith.muli %arg1, %mul3A : i32
    %add3A = arith.addi %mul3A_0, %arg0 : i32
    %mul3A_1 = arith.constant 144 : i32
    %mul3A_2 = arith.muli %add3A, %mul3A_1 : i32
    "tpu.region"() ({
      %run_scoped3A = tpu.sem_alloc : memref<!tpu.dma_semaphore, #tpu.memory_space<semaphore_mem>>
      %dma_start3A_9 = tpu.memref_slice %arg3[%mul3A_2] : memref<4608xi32, #tpu.memory_space<hbm>> -> memref<144xi32, #tpu.memory_space<hbm>>
      %dma_start3A_10 = tpu.memref_slice %arg3[%mul3A_2] : memref<4608xi32, #tpu.memory_space<hbm>> -> memref<144xi32, #tpu.memory_space<hbm>>
      tpu.enqueue_dma source(%dma_start3A_10 : memref<144xi32, #tpu.memory_space<hbm>>) target(%arg5 : memref<144xi32, #tpu.memory_space<vmem>>) target_semaphore(%run_scoped3A : memref<!tpu.dma_semaphore, #tpu.memory_space<semaphore_mem>>)
      %dma_wait3A_11 = tpu.memref_slice %arg3[%mul3A_2] : memref<4608xi32, #tpu.memory_space<hbm>> -> memref<144xi32, #tpu.memory_space<hbm>>
      %dma_wait3A_12 = tpu.memref_slice %arg3[%mul3A_2] : memref<4608xi32, #tpu.memory_space<hbm>> -> memref<144xi32, #tpu.memory_space<hbm>>
      tpu.wait_dma2 semaphore(%run_scoped3A : memref<!tpu.dma_semaphore, #tpu.memory_space<semaphore_mem>>) src(%dma_wait3A_12 : memref<144xi32, #tpu.memory_space<hbm>>) dst(%arg5 : memref<144xi32, #tpu.memory_space<vmem>>)
      tpu.yield
    }) : () -> ()
    %dma_start3A = arith.constant 0 : i32
    %dma_start3A_3 = arith.constant 0 : i32
    %dma_start3A_4 = tpu.memref_slice %arg2[%dma_start3A, %dma_start3A_3] : memref<1024x256xf32, #tpu.memory_space<hbm>> -> memref<1024x256xf32, #tpu.memory_space<hbm>>
    tpu.enqueue_indirect_dma source(%dma_start3A_4 : memref<1024x256xf32, #tpu.memory_space<hbm>>) target(%arg6 : memref<144x256xf32, #tpu.memory_space<vmem>>) offsets(%arg5 : memref<144xi32, #tpu.memory_space<vmem>>) semaphore(%arg7 : memref<!tpu.dma_semaphore, #tpu.memory_space<semaphore_mem>>)
    %dma_wait3A = arith.constant 0 : i32
    %dma_wait3A_5 = arith.constant 0 : i32
    %dma_wait3A_6 = tpu.memref_slice %arg2[%dma_wait3A, %dma_wait3A_5] : memref<1024x256xf32, #tpu.memory_space<hbm>> -> memref<1024x256xf32, #tpu.memory_space<hbm>>
    tpu.wait_indirect_dma semaphore(%arg7 : memref<!tpu.dma_semaphore, #tpu.memory_space<semaphore_mem>>) src(%dma_wait3A_6 : memref<1024x256xf32, #tpu.memory_space<hbm>>) dst(%arg6 : memref<144x256xf32, #tpu.memory_space<vmem>>)
    %add3A_7 = arith.constant 0 : i32
    %add3A_8 = arith.addi %add3A_7, %mul3A_2 : i32
    "tpu.region"() ({
      %run_scoped3A = tpu.sem_alloc : memref<!tpu.dma_semaphore, #tpu.memory_space<semaphore_mem>>
      %dma_start3A_9 = arith.constant 0 : i32
      %dma_start3A_10 = tpu.memref_slice %arg4[%add3A_8, %dma_start3A_9] : memref<9216x256xf32, #tpu.memory_space<hbm>> -> memref<144x256xf32, #tpu.memory_space<hbm>>
      %dma_start3A_11 = arith.constant 0 : i32
      %dma_start3A_12 = tpu.memref_slice %arg4[%add3A_8, %dma_start3A_11] : memref<9216x256xf32, #tpu.memory_space<hbm>> -> memref<144x256xf32, #tpu.memory_space<hbm>>
      tpu.enqueue_dma source(%arg6 : memref<144x256xf32, #tpu.memory_space<vmem>>) target(%dma_start3A_12 : memref<144x256xf32, #tpu.memory_space<hbm>>) target_semaphore(%run_scoped3A : memref<!tpu.dma_semaphore, #tpu.memory_space<semaphore_mem>>)
      %dma_wait3A_13 = arith.constant 0 : i32
      %dma_wait3A_14 = tpu.memref_slice %arg4[%add3A_8, %dma_wait3A_13] : memref<9216x256xf32, #tpu.memory_space<hbm>> -> memref<144x256xf32, #tpu.memory_space<hbm>>
      %dma_wait3A_15 = arith.constant 0 : i32
      %dma_wait3A_16 = tpu.memref_slice %arg4[%add3A_8, %dma_wait3A_15] : memref<9216x256xf32, #tpu.memory_space<hbm>> -> memref<144x256xf32, #tpu.memory_space<hbm>>
      tpu.wait_dma2 semaphore(%run_scoped3A : memref<!tpu.dma_semaphore, #tpu.memory_space<semaphore_mem>>) src(%arg6 : memref<144x256xf32, #tpu.memory_space<vmem>>) dst(%dma_wait3A_16 : memref<144x256xf32, #tpu.memory_space<hbm>>)
      tpu.yield
    }) : () -> ()
    return
  }
}

#map = affine_map<(d0, d1) -> (0, 0)>
#map1 = affine_map<(d0, d1) -> (0)>
module attributes {stable_mosaic.version = 14 : i64} {
  func.func @gather_k(%arg0: i32, %arg1: i32, %arg2: memref<1024x256xf32, #tpu.memory_space<hbm>>, %arg3: memref<4608xi32, #tpu.memory_space<hbm>>, %arg4: memref<4608x256xf32, #tpu.memory_space<hbm>>, %arg5: memref<144xi32, #tpu.memory_space<vmem>>, %arg6: memref<144x256xf32, #tpu.memory_space<vmem>>, %arg7: memref<!tpu.dma_semaphore, #tpu.memory_space<semaphore_mem>>) attributes {dimension_semantics = [#tpu.dimension_semantics<core_parallel>, #tpu.dimension_semantics<subcore_parallel>], iteration_bounds = array<i64: 2, 16>, scalar_prefetch = 0 : i64, scratch_operands = 3 : i64, tpu.core_type = #tpu.core_type<sc_vector_subcore>, window_params = [{transform_indices = #map}, {transform_indices = #map1}, {transform_indices = #map}]} {
    %mul3A = arith.constant 2 : i32
    %mul3A_0 = arith.muli %arg1, %mul3A : i32
    %add3A = arith.addi %mul3A_0, %arg0 : i32
    %mul3A_1 = arith.constant 144 : i32
    %mul3A_2 = arith.muli %add3A, %mul3A_1 : i32
    "tpu.region"() ({
      %run_scoped3A = tpu.sem_alloc : memref<!tpu.dma_semaphore, #tpu.memory_space<semaphore_mem>>
      %dma_start3A_9 = tpu.memref_slice %arg3[%mul3A_2] : memref<4608xi32, #tpu.memory_space<hbm>> -> memref<144xi32, #tpu.memory_space<hbm>>
      %dma_start3A_10 = tpu.memref_slice %arg3[%mul3A_2] : memref<4608xi32, #tpu.memory_space<hbm>> -> memref<144xi32, #tpu.memory_space<hbm>>
      tpu.enqueue_dma source(%dma_start3A_10 : memref<144xi32, #tpu.memory_space<hbm>>) target(%arg5 : memref<144xi32, #tpu.memory_space<vmem>>) target_semaphore(%run_scoped3A : memref<!tpu.dma_semaphore, #tpu.memory_space<semaphore_mem>>)
      %dma_wait3A_11 = tpu.memref_slice %arg3[%mul3A_2] : memref<4608xi32, #tpu.memory_space<hbm>> -> memref<144xi32, #tpu.memory_space<hbm>>
      %dma_wait3A_12 = tpu.memref_slice %arg3[%mul3A_2] : memref<4608xi32, #tpu.memory_space<hbm>> -> memref<144xi32, #tpu.memory_space<hbm>>
      tpu.wait_dma2 semaphore(%run_scoped3A : memref<!tpu.dma_semaphore, #tpu.memory_space<semaphore_mem>>) src(%dma_wait3A_12 : memref<144xi32, #tpu.memory_space<hbm>>) dst(%arg5 : memref<144xi32, #tpu.memory_space<vmem>>)
      tpu.yield
    }) : () -> ()
    %dma_start3A = arith.constant 0 : i32
    %dma_start3A_3 = arith.constant 0 : i32
    %dma_start3A_4 = tpu.memref_slice %arg2[%dma_start3A, %dma_start3A_3] : memref<1024x256xf32, #tpu.memory_space<hbm>> -> memref<1024x256xf32, #tpu.memory_space<hbm>>
    tpu.enqueue_indirect_dma source(%dma_start3A_4 : memref<1024x256xf32, #tpu.memory_space<hbm>>) target(%arg6 : memref<144x256xf32, #tpu.memory_space<vmem>>) offsets(%arg5 : memref<144xi32, #tpu.memory_space<vmem>>) semaphore(%arg7 : memref<!tpu.dma_semaphore, #tpu.memory_space<semaphore_mem>>)
    %dma_wait3A = arith.constant 0 : i32
    %dma_wait3A_5 = arith.constant 0 : i32
    %dma_wait3A_6 = tpu.memref_slice %arg2[%dma_wait3A, %dma_wait3A_5] : memref<1024x256xf32, #tpu.memory_space<hbm>> -> memref<1024x256xf32, #tpu.memory_space<hbm>>
    tpu.wait_indirect_dma semaphore(%arg7 : memref<!tpu.dma_semaphore, #tpu.memory_space<semaphore_mem>>) src(%dma_wait3A_6 : memref<1024x256xf32, #tpu.memory_space<hbm>>) dst(%arg6 : memref<144x256xf32, #tpu.memory_space<vmem>>)
    %add3A_7 = arith.constant 0 : i32
    %add3A_8 = arith.addi %add3A_7, %mul3A_2 : i32
    "tpu.region"() ({
      %run_scoped3A = tpu.sem_alloc : memref<!tpu.dma_semaphore, #tpu.memory_space<semaphore_mem>>
      %dma_start3A_9 = arith.constant 0 : i32
      %dma_start3A_10 = tpu.memref_slice %arg4[%add3A_8, %dma_start3A_9] : memref<4608x256xf32, #tpu.memory_space<hbm>> -> memref<144x256xf32, #tpu.memory_space<hbm>>
      %dma_start3A_11 = arith.constant 0 : i32
      %dma_start3A_12 = tpu.memref_slice %arg4[%add3A_8, %dma_start3A_11] : memref<4608x256xf32, #tpu.memory_space<hbm>> -> memref<144x256xf32, #tpu.memory_space<hbm>>
      tpu.enqueue_dma source(%arg6 : memref<144x256xf32, #tpu.memory_space<vmem>>) target(%dma_start3A_12 : memref<144x256xf32, #tpu.memory_space<hbm>>) target_semaphore(%run_scoped3A : memref<!tpu.dma_semaphore, #tpu.memory_space<semaphore_mem>>)
      %dma_wait3A_13 = arith.constant 0 : i32
      %dma_wait3A_14 = tpu.memref_slice %arg4[%add3A_8, %dma_wait3A_13] : memref<4608x256xf32, #tpu.memory_space<hbm>> -> memref<144x256xf32, #tpu.memory_space<hbm>>
      %dma_wait3A_15 = arith.constant 0 : i32
      %dma_wait3A_16 = tpu.memref_slice %arg4[%add3A_8, %dma_wait3A_15] : memref<4608x256xf32, #tpu.memory_space<hbm>> -> memref<144x256xf32, #tpu.memory_space<hbm>>
      tpu.wait_dma2 semaphore(%run_scoped3A : memref<!tpu.dma_semaphore, #tpu.memory_space<semaphore_mem>>) src(%arg6 : memref<144x256xf32, #tpu.memory_space<vmem>>) dst(%dma_wait3A_16 : memref<144x256xf32, #tpu.memory_space<hbm>>)
      tpu.yield
    }) : () -> ()
    return
  }
}

module attributes {stable_mosaic.version = 14 : i64} {
  func.func @_vq_tc_body(%arg0: i32, %arg1: memref<2x576x256xf32, #tpu.memory_space<vmem>>, %arg2: memref<1024x256xf32, #tpu.memory_space<vmem>>, %arg3: memref<4608xi32, #tpu.memory_space<vmem>>, %arg4: memref<2x1x128xf32, #tpu.memory_space<vmem>>) attributes {dimension_semantics = [#tpu.dimension_semantics<arbitrary>], iteration_bounds = array<i64: 4>, scalar_prefetch = 0 : i64, scratch_operands = 0 : i64, tpu.core_type = #tpu.core_type<tc>, window_params = [{transform_indices = @transform_0, window_bounds = array<i64: 2, 576, 256>}, {pipeline_mode = #tpu.pipeline_mode<synchronous>, transform_indices = @transform_1, window_bounds = array<i64: 1024, 256>}, {pipeline_mode = #tpu.pipeline_mode<synchronous>, transform_indices = @transform_2, window_bounds = array<i64: 4608>}, {transform_indices = @transform_3, window_bounds = array<i64: 2, 1, 128>}]} {
    %get3A = arith.constant 0 : index
    %get3A_0 = arith.constant 0 : index
    %get3A_1 = arith.constant 0 : index
    %get3A_2 = vector.load %arg1[%get3A, %get3A_0, %get3A_1] : memref<2x576x256xf32, #tpu.memory_space<vmem>>, vector<2x576x256xf32>
    %reshape3A = vector.shape_cast %get3A_2 : vector<2x576x256xf32> to vector<1152x256xf32>
    %get3A_3 = arith.constant 0 : index
    %get3A_4 = arith.constant 0 : index
    %get3A_5 = vector.load %arg2[%get3A_3, %get3A_4] : memref<1024x256xf32, #tpu.memory_space<vmem>>, vector<1024x256xf32>
    %mul3A = arith.mulf %get3A_5, %get3A_5 : vector<1024x256xf32>
    %reduce_sum3A = arith.constant dense<0.000000e+00> : vector<1024xf32>
    %reduce_sum3A_6 = vector.multi_reduction <add>, %mul3A, %reduce_sum3A [1] : vector<1024x256xf32> to vector<1024xf32>
    %mul3A_7 = arith.mulf %reshape3A, %reshape3A : vector<1152x256xf32>
    %reduce_sum3A_8 = arith.constant dense<0.000000e+00> : vector<1152xf32>
    %reduce_sum3A_9 = vector.multi_reduction <add>, %mul3A_7, %reduce_sum3A_8 [1] : vector<1152x256xf32> to vector<1152xf32>
    %dot_general3A = arith.constant dense<0.000000e+00> : vector<1152x1024xf32>
    %dot_general3A_10 = tpu.matmul %reshape3A, %get3A_5, %dot_general3A {dimension_numbers = #tpu.dot_dimension_numbers<[1], [1], [0], [0], [0, 0, 1, 0], [], []>, transpose_lhs_hint = false} : vector<1152x256xf32>, vector<1024x256xf32>, vector<1152x1024xf32> -> vector<1152x1024xf32>
    %broadcast_in_dim3A = vector.shape_cast %reduce_sum3A_9 : vector<1152xf32> to vector<1152x1xf32>
    %broadcast_in_dim3A_11 = vector.shape_cast %reduce_sum3A_6 : vector<1024xf32> to vector<1x1024xf32>
    %add3A = vector.broadcast %broadcast_in_dim3A : vector<1152x1xf32> to vector<1152x1024xf32>
    %add3A_12 = vector.broadcast %broadcast_in_dim3A_11 : vector<1x1024xf32> to vector<1152x1024xf32>
    %add3A_13 = arith.addf %add3A, %add3A_12 : vector<1152x1024xf32>
    %mul3A_14 = arith.constant 2.000000e+00 : f32
    %mul3A_15 = vector.broadcast %mul3A_14 : f32 to vector<1152x1024xf32>
    %mul3A_16 = arith.mulf %mul3A_15, %dot_general3A_10 : vector<1152x1024xf32>
    %sub3A = arith.subf %add3A_13, %mul3A_16 : vector<1152x1024xf32>
    %argmin3A = tpu.reduce_index %sub3A {axis = 1 : i32, kind = #tpu.reduction_kind<arg_min>} : vector<1152x1024xf32> -> vector<1152xi32>
    %reduce_min3A = arith.constant dense<0x7F800000> : vector<1152xf32>
    %reduce_min3A_17 = vector.multi_reduction <minimumf>, %sub3A, %reduce_min3A [1] : vector<1152x1024xf32> to vector<1152xf32>
    %iota3A = tpu.iota {dimensions = array<i32: 1>} : vector<1152x1024xi32>
    %broadcast_in_dim3A_18 = vector.shape_cast %argmin3A : vector<1152xi32> to vector<1152x1xi32>
    %eq3A = vector.broadcast %broadcast_in_dim3A_18 : vector<1152x1xi32> to vector<1152x1024xi32>
    %eq3A_19 = arith.cmpi eq, %iota3A, %eq3A : vector<1152x1024xi32>
    %broadcast_in_dim3A_20 = vector.shape_cast %reduce_sum3A_6 : vector<1024xf32> to vector<1x1024xf32>
    %jit3A = arith.constant 0.000000e+00 : f32
    %broadcast_in_dim3A_21 = vector.shape_cast %broadcast_in_dim3A_20 : vector<1x1024xf32> to vector<1x1024xf32>
    %broadcast_in_dim3A_22 = vector.broadcast %broadcast_in_dim3A_21 : vector<1x1024xf32> to vector<1152x1024xf32>
    %broadcast_in_dim3A_23 = vector.broadcast %jit3A : f32 to vector<1152x1024xf32>
    %select_n3A = arith.select %eq3A_19, %broadcast_in_dim3A_22, %broadcast_in_dim3A_23 : vector<1152x1024xi1>, vector<1152x1024xf32>
    %reduce_sum3A_24 = arith.constant dense<0.000000e+00> : vector<1152xf32>
    %reduce_sum3A_25 = vector.multi_reduction <add>, %select_n3A, %reduce_sum3A_24 [1] : vector<1152x1024xf32> to vector<1152xf32>
    %add3A_26 = arith.addf %reduce_sum3A_9, %reduce_sum3A_25 : vector<1152xf32>
    %sub3A_27 = arith.subf %add3A_26, %reduce_min3A_17 : vector<1152xf32>
    %mul3A_28 = arith.constant 5.000000e-01 : f32
    %mul3A_29 = vector.broadcast %mul3A_28 : f32 to vector<1152xf32>
    %mul3A_30 = arith.mulf %mul3A_29, %sub3A_27 : vector<1152xf32>
    %sqrt3A = math.sqrt %reduce_sum3A_9 : vector<1152xf32>
    %max3A = arith.constant 9.99999974E-6 : f32
    %max3A_31 = vector.broadcast %max3A : f32 to vector<1152xf32>
    %max3A_32 = arith.maximumf %sqrt3A, %max3A_31 : vector<1152xf32>
    %sqrt3A_33 = math.sqrt %reduce_sum3A_25 : vector<1152xf32>
    %max3A_34 = arith.constant 9.99999974E-6 : f32
    %max3A_35 = vector.broadcast %max3A_34 : f32 to vector<1152xf32>
    %max3A_36 = arith.maximumf %sqrt3A_33, %max3A_35 : vector<1152xf32>
    %mul3A_37 = arith.mulf %max3A_36, %max3A_36 : vector<1152xf32>
    %div3A = arith.divf %reduce_sum3A_25, %mul3A_37 : vector<1152xf32>
    %mul3A_38 = arith.mulf %max3A_32, %max3A_32 : vector<1152xf32>
    %div3A_39 = arith.divf %reduce_sum3A_9, %mul3A_38 : vector<1152xf32>
    %add3A_40 = arith.addf %div3A, %div3A_39 : vector<1152xf32>
    %mul3A_41 = arith.constant 2.000000e+00 : f32
    %mul3A_42 = vector.broadcast %mul3A_41 : f32 to vector<1152xf32>
    %mul3A_43 = arith.mulf %mul3A_42, %mul3A_30 : vector<1152xf32>
    %mul3A_44 = arith.mulf %max3A_36, %max3A_32 : vector<1152xf32>
    %div3A_45 = arith.divf %mul3A_43, %mul3A_44 : vector<1152xf32>
    %sub3A_46 = arith.subf %add3A_40, %div3A_45 : vector<1152xf32>
    %reshape3A_47 = vector.shape_cast %sub3A_46 : vector<1152xf32> to vector<2x576xf32>
    %reduce_sum3A_48 = arith.constant dense<0.000000e+00> : vector<2xf32>
    %reduce_sum3A_49 = vector.multi_reduction <add>, %reshape3A_47, %reduce_sum3A_48 [1] : vector<2x576xf32> to vector<2xf32>
    %mul3A_50 = arith.constant 6.78168407E-6 : f32
    %mul3A_51 = vector.broadcast %mul3A_50 : f32 to vector<2xf32>
    %mul3A_52 = arith.mulf %reduce_sum3A_49, %mul3A_51 : vector<2xf32>
    %broadcast_in_dim3A_53 = vector.shape_cast %mul3A_52 : vector<2xf32> to vector<2x1x1xf32>
    %broadcast_in_dim3A_54 = vector.shape_cast %broadcast_in_dim3A_53 : vector<2x1x1xf32> to vector<2x1x1xf32>
    %broadcast_in_dim3A_55 = vector.broadcast %broadcast_in_dim3A_54 : vector<2x1x1xf32> to vector<2x1x128xf32>
    %swap3A = arith.constant 0 : index
    %swap3A_56 = arith.constant 0 : index
    %swap3A_57 = arith.constant 0 : index
    %swap3A_58 = vector.load %arg4[%swap3A, %swap3A_56, %swap3A_57] : memref<2x1x128xf32, #tpu.memory_space<vmem>>, vector<2x1x128xf32>
    tpu.vector_store %arg4[%swap3A, %swap3A_56, %swap3A_57], %broadcast_in_dim3A_55 {strides = array<i32>} : memref<2x1x128xf32, #tpu.memory_space<vmem>>, vector<2x1x128xf32>,
    %mul3A_59 = arith.constant 1152 : i32
    %mul3A_60 = arith.muli %arg0, %mul3A_59 : i32
    %swap3A_61 = arith.index_cast %mul3A_60 : i32 to index
    %swap3A_62 = vector.load %arg3[%swap3A_61] : memref<4608xi32, #tpu.memory_space<vmem>>, vector<1152xi32>
    tpu.vector_store %arg3[%swap3A_61], %argmin3A {strides = array<i32>} : memref<4608xi32, #tpu.memory_space<vmem>>, vector<1152xi32>,
    return
  }
  func.func @transform_0(%arg0: i32) -> (i32, i32, i32) {
    %add3A = arith.constant 0 : i32
    %add3A_0 = arith.addi %arg0, %add3A : i32
    %c0_i32 = arith.constant 0 : i32
    %c0_i32_1 = arith.constant 0 : i32
    %c0_i32_2 = arith.constant 0 : i32
    return %add3A_0, %c0_i32, %c0_i32_1 : i32, i32, i32
  }
  func.func @transform_1(%arg0: i32) -> (i32, i32) {
    %c0_i32 = arith.constant 0 : i32
    %c0_i32_0 = arith.constant 0 : i32
    %c0_i32_1 = arith.constant 0 : i32
    return %c0_i32, %c0_i32_0 : i32, i32
  }
  func.func @transform_2(%arg0: i32) -> i32 {
    %c0_i32 = arith.constant 0 : i32
    %c0_i32_0 = arith.constant 0 : i32
    return %c0_i32 : i32
  }
  func.func @transform_3(%arg0: i32) -> (i32, i32, i32) {
    %c0_i32 = arith.constant 0 : i32
    %c0_i32_0 = arith.constant 0 : i32
    %c0_i32_1 = arith.constant 0 : i32
    return %arg0, %c0_i32, %c0_i32_0 : i32, i32, i32
  }
}

module attributes {stable_mosaic.version = 14 : i64} {
  func.func @_vq_tc_body(%arg0: i32, %arg1: memref<2x576x256xf32, #tpu.memory_space<vmem>>, %arg2: memref<1024x256xf32, #tpu.memory_space<vmem>>, %arg3: memref<4608xi32, #tpu.memory_space<vmem>>, %arg4: memref<2x1x128xf32, #tpu.memory_space<vmem>>) attributes {dimension_semantics = [#tpu.dimension_semantics<arbitrary>], iteration_bounds = array<i64: 4>, scalar_prefetch = 0 : i64, scratch_operands = 0 : i64, tpu.core_type = #tpu.core_type<tc>, window_params = [{transform_indices = @transform_0, window_bounds = array<i64: 2, 576, 256>}, {pipeline_mode = #tpu.pipeline_mode<synchronous>, transform_indices = @transform_1, window_bounds = array<i64: 1024, 256>}, {pipeline_mode = #tpu.pipeline_mode<synchronous>, transform_indices = @transform_2, window_bounds = array<i64: 4608>}, {transform_indices = @transform_3, window_bounds = array<i64: 2, 1, 128>}]} {
    %get3A = arith.constant 0 : index
    %get3A_0 = arith.constant 0 : index
    %get3A_1 = arith.constant 0 : index
    %get3A_2 = vector.load %arg1[%get3A, %get3A_0, %get3A_1] : memref<2x576x256xf32, #tpu.memory_space<vmem>>, vector<2x576x256xf32>
    %reshape3A = vector.shape_cast %get3A_2 : vector<2x576x256xf32> to vector<1152x256xf32>
    %get3A_3 = arith.constant 0 : index
    %get3A_4 = arith.constant 0 : index
    %get3A_5 = vector.load %arg2[%get3A_3, %get3A_4] : memref<1024x256xf32, #tpu.memory_space<vmem>>, vector<1024x256xf32>
    %mul3A = arith.mulf %get3A_5, %get3A_5 : vector<1024x256xf32>
    %reduce_sum3A = arith.constant dense<0.000000e+00> : vector<1024xf32>
    %reduce_sum3A_6 = vector.multi_reduction <add>, %mul3A, %reduce_sum3A [1] : vector<1024x256xf32> to vector<1024xf32>
    %mul3A_7 = arith.mulf %reshape3A, %reshape3A : vector<1152x256xf32>
    %reduce_sum3A_8 = arith.constant dense<0.000000e+00> : vector<1152xf32>
    %reduce_sum3A_9 = vector.multi_reduction <add>, %mul3A_7, %reduce_sum3A_8 [1] : vector<1152x256xf32> to vector<1152xf32>
    %dot_general3A = arith.constant dense<0.000000e+00> : vector<1152x1024xf32>
    %dot_general3A_10 = tpu.matmul %reshape3A, %get3A_5, %dot_general3A {dimension_numbers = #tpu.dot_dimension_numbers<[1], [1], [0], [0], [0, 0, 1, 0], [], []>, transpose_lhs_hint = false} : vector<1152x256xf32>, vector<1024x256xf32>, vector<1152x1024xf32> -> vector<1152x1024xf32>
    %broadcast_in_dim3A = vector.shape_cast %reduce_sum3A_9 : vector<1152xf32> to vector<1152x1xf32>
    %broadcast_in_dim3A_11 = vector.shape_cast %reduce_sum3A_6 : vector<1024xf32> to vector<1x1024xf32>
    %add3A = vector.broadcast %broadcast_in_dim3A : vector<1152x1xf32> to vector<1152x1024xf32>
    %add3A_12 = vector.broadcast %broadcast_in_dim3A_11 : vector<1x1024xf32> to vector<1152x1024xf32>
    %add3A_13 = arith.addf %add3A, %add3A_12 : vector<1152x1024xf32>
    %mul3A_14 = arith.constant 2.000000e+00 : f32
    %mul3A_15 = vector.broadcast %mul3A_14 : f32 to vector<1152x1024xf32>
    %mul3A_16 = arith.mulf %mul3A_15, %dot_general3A_10 : vector<1152x1024xf32>
    %sub3A = arith.subf %add3A_13, %mul3A_16 : vector<1152x1024xf32>
    %argmin3A = tpu.reduce_index %sub3A {axis = 1 : i32, kind = #tpu.reduction_kind<arg_min>} : vector<1152x1024xf32> -> vector<1152xi32>
    %reduce_min3A = arith.constant dense<0x7F800000> : vector<1152xf32>
    %reduce_min3A_17 = vector.multi_reduction <minimumf>, %sub3A, %reduce_min3A [1] : vector<1152x1024xf32> to vector<1152xf32>
    %iota3A = tpu.iota {dimensions = array<i32: 1>} : vector<1152x1024xi32>
    %broadcast_in_dim3A_18 = vector.shape_cast %argmin3A : vector<1152xi32> to vector<1152x1xi32>
    %eq3A = vector.broadcast %broadcast_in_dim3A_18 : vector<1152x1xi32> to vector<1152x1024xi32>
    %eq3A_19 = arith.cmpi eq, %iota3A, %eq3A : vector<1152x1024xi32>
    %broadcast_in_dim3A_20 = vector.shape_cast %reduce_sum3A_6 : vector<1024xf32> to vector<1x1024xf32>
    %jit3A = arith.constant 0.000000e+00 : f32
    %broadcast_in_dim3A_21 = vector.shape_cast %broadcast_in_dim3A_20 : vector<1x1024xf32> to vector<1x1024xf32>
    %broadcast_in_dim3A_22 = vector.broadcast %broadcast_in_dim3A_21 : vector<1x1024xf32> to vector<1152x1024xf32>
    %broadcast_in_dim3A_23 = vector.broadcast %jit3A : f32 to vector<1152x1024xf32>
    %select_n3A = arith.select %eq3A_19, %broadcast_in_dim3A_22, %broadcast_in_dim3A_23 : vector<1152x1024xi1>, vector<1152x1024xf32>
    %reduce_sum3A_24 = arith.constant dense<0.000000e+00> : vector<1152xf32>
    %reduce_sum3A_25 = vector.multi_reduction <add>, %select_n3A, %reduce_sum3A_24 [1] : vector<1152x1024xf32> to vector<1152xf32>
    %add3A_26 = arith.addf %reduce_sum3A_9, %reduce_sum3A_25 : vector<1152xf32>
    %sub3A_27 = arith.subf %add3A_26, %reduce_min3A_17 : vector<1152xf32>
    %mul3A_28 = arith.constant 5.000000e-01 : f32
    %mul3A_29 = vector.broadcast %mul3A_28 : f32 to vector<1152xf32>
    %mul3A_30 = arith.mulf %mul3A_29, %sub3A_27 : vector<1152xf32>
    %sqrt3A = math.sqrt %reduce_sum3A_9 : vector<1152xf32>
    %max3A = arith.constant 9.99999974E-6 : f32
    %max3A_31 = vector.broadcast %max3A : f32 to vector<1152xf32>
    %max3A_32 = arith.maximumf %sqrt3A, %max3A_31 : vector<1152xf32>
    %sqrt3A_33 = math.sqrt %reduce_sum3A_25 : vector<1152xf32>
    %max3A_34 = arith.constant 9.99999974E-6 : f32
    %max3A_35 = vector.broadcast %max3A_34 : f32 to vector<1152xf32>
    %max3A_36 = arith.maximumf %sqrt3A_33, %max3A_35 : vector<1152xf32>
    %mul3A_37 = arith.mulf %max3A_36, %max3A_36 : vector<1152xf32>
    %div3A = arith.divf %reduce_sum3A_25, %mul3A_37 : vector<1152xf32>
    %mul3A_38 = arith.mulf %max3A_32, %max3A_32 : vector<1152xf32>
    %div3A_39 = arith.divf %reduce_sum3A_9, %mul3A_38 : vector<1152xf32>
    %add3A_40 = arith.addf %div3A, %div3A_39 : vector<1152xf32>
    %mul3A_41 = arith.constant 2.000000e+00 : f32
    %mul3A_42 = vector.broadcast %mul3A_41 : f32 to vector<1152xf32>
    %mul3A_43 = arith.mulf %mul3A_42, %mul3A_30 : vector<1152xf32>
    %mul3A_44 = arith.mulf %max3A_36, %max3A_32 : vector<1152xf32>
    %div3A_45 = arith.divf %mul3A_43, %mul3A_44 : vector<1152xf32>
    %sub3A_46 = arith.subf %add3A_40, %div3A_45 : vector<1152xf32>
    %reshape3A_47 = vector.shape_cast %sub3A_46 : vector<1152xf32> to vector<2x576xf32>
    %reduce_sum3A_48 = arith.constant dense<0.000000e+00> : vector<2xf32>
    %reduce_sum3A_49 = vector.multi_reduction <add>, %reshape3A_47, %reduce_sum3A_48 [1] : vector<2x576xf32> to vector<2xf32>
    %mul3A_50 = arith.constant 6.78168407E-6 : f32
    %mul3A_51 = vector.broadcast %mul3A_50 : f32 to vector<2xf32>
    %mul3A_52 = arith.mulf %reduce_sum3A_49, %mul3A_51 : vector<2xf32>
    %broadcast_in_dim3A_53 = vector.shape_cast %mul3A_52 : vector<2xf32> to vector<2x1x1xf32>
    %broadcast_in_dim3A_54 = vector.shape_cast %broadcast_in_dim3A_53 : vector<2x1x1xf32> to vector<2x1x1xf32>
    %broadcast_in_dim3A_55 = vector.broadcast %broadcast_in_dim3A_54 : vector<2x1x1xf32> to vector<2x1x128xf32>
    %swap3A = arith.constant 0 : index
    %swap3A_56 = arith.constant 0 : index
    %swap3A_57 = arith.constant 0 : index
    %swap3A_58 = vector.load %arg4[%swap3A, %swap3A_56, %swap3A_57] : memref<2x1x128xf32, #tpu.memory_space<vmem>>, vector<2x1x128xf32>
    tpu.vector_store %arg4[%swap3A, %swap3A_56, %swap3A_57], %broadcast_in_dim3A_55 {strides = array<i32>} : memref<2x1x128xf32, #tpu.memory_space<vmem>>, vector<2x1x128xf32>,
    %mul3A_59 = arith.constant 1152 : i32
    %mul3A_60 = arith.muli %arg0, %mul3A_59 : i32
    %swap3A_61 = arith.index_cast %mul3A_60 : i32 to index
    %swap3A_62 = vector.load %arg3[%swap3A_61] : memref<4608xi32, #tpu.memory_space<vmem>>, vector<1152xi32>
    tpu.vector_store %arg3[%swap3A_61], %argmin3A {strides = array<i32>} : memref<4608xi32, #tpu.memory_space<vmem>>, vector<1152xi32>,
    return
  }
  func.func @transform_0(%arg0: i32) -> (i32, i32, i32) {
    %add3A = arith.constant 4 : i32
    %add3A_0 = arith.addi %arg0, %add3A : i32
    %c0_i32 = arith.constant 0 : i32
    %c0_i32_1 = arith.constant 0 : i32
    %c0_i32_2 = arith.constant 0 : i32
    return %add3A_0, %c0_i32, %c0_i32_1 : i32, i32, i32
  }
  func.func @transform_1(%arg0: i32) -> (i32, i32) {
    %c0_i32 = arith.constant 0 : i32
    %c0_i32_0 = arith.constant 0 : i32
    %c0_i32_1 = arith.constant 0 : i32
    return %c0_i32, %c0_i32_0 : i32, i32
  }
  func.func @transform_2(%arg0: i32) -> i32 {
    %c0_i32 = arith.constant 0 : i32
    %c0_i32_0 = arith.constant 0 : i32
    return %c0_i32 : i32
  }
  func.func @transform_3(%arg0: i32) -> (i32, i32, i32) {
    %c0_i32 = arith.constant 0 : i32
    %c0_i32_0 = arith.constant 0 : i32
    %c0_i32_1 = arith.constant 0 : i32
    return %arg0, %c0_i32, %c0_i32_0 : i32, i32, i32
  }
}

</mosaic_0001>

<sc_bundles>
// kernel: kernel.6.cloned.1.call-start
scs
__scs_entry_jumppad:
0x0: {  	(pc) =	sbr.rel $0x88, $3  }
0x1: {  	(tag) =	ssettag $0x0;
	lr =	simm.s32 $0x1  }
0x2: {  	[smem:$0x3F9F] =	sst lr;
	_ =	strace $0xD0000000  }
0x3: {  	_ = 	snop  }
0x4: {  	_ = 	snop  }
0x5: {  	_ = 	snop  }
0x6: {  	_ = 	snop  }
0x7: {  	_ = 	snop  }
__scs_overlays_trampoline_lowered:
0x8: {  	[smem:$0x3FAE] =	sst s0  }
0x9: {  	[smem:$0x3FAF] =	sst s1  }
0xa: {  	[smem:$0x3FB0] =	sst s2  }
0xb: {  	[smem:$0x3FB1] =	sst s3  }
0xc: {  	[smem:$0x3FB2] =	sst s4  }
0xd: {  	[smem:$0x3FB3] =	sst s5  }
0xe: {  	[smem:$0x3FB4] =	sst s6  }
0xf: {  	[smem:$0x3FB5] =	sst s7  }
0x10: {  	[smem:$0x3FB6] =	sst s8  }
0x11: {  	[smem:$0x3FB7] =	sst s9;
	s0 =	simm.s32 @!p0 $0x0  }
0x12: {  	s1 =	sld [smem:$0x3F9D];
	s0 =	simm.s32 @p0 $0x1  }
0x13: {  	[smem:$0x3FB8] =	sst s0;
	s0 =	simm.s32 @!p1 $0x0  }
0x14: {  	s2 =	sld [smem:$0x3F9C];
	s0 =	simm.s32 @p1 $0x1  }
0x15: {  	[smem:$0x3FB9] =	sst s0;
	s0 =	simm.s32 @!p2 $0x0  }
0x16: {  	s3 =	sld [smem:$0x3FDB];
	s0 =	simm.s32 @p2 $0x1  }
0x17: {  	s4 =	simm.s32 $0x1BF5;
	[smem:$0x3FBB] =	sst s0  }
0x18: {  	s0 =	sld [smem:$0x3F9E];
	_ =	swait.ge [sflag:s4], $0x0  }
0x19: {  	s7 =	sld [smem:$0x3F9F]  }
0x1a: {  	s8 =	sadd.s32 $0xFFFFE003, lr  }
0x1b: {  	s9 =	sadd.s32 $0xFFFFFEF7, lr;
	s5 =	simm.s32 $0xFFFFFFFF;
	p2 =	slt.u32 s8, $0xFFFFF086  }
0x1c: {  	p1 =	slt.u32 s9, $0xF7A;
	s5 =	simm.s32 @!p2 $0x0  }
0x1d: {  	s5 =	simm.s32 @p1 $0x1;
	p0 =	seq.s32 s7, s2  }
0x1e: {  	s7 =	smul.u32 @!p0 $0xF7A, s2;
	p2 =	seq.s32 @!p0 s5, $0x0  }
0x1f: {  	s9 =	smul.u32 $0xF7A, s1;
	s8 =	simm.s32 @!p0 $0x1BF5;
	p2 =	por !p2, p0  }
0x20: {  	[sflag:s8] =	ssyncset.s32 @!p0 $0xFFFFF086;
	s6 =	sadd.s32 @!p0 s3, s7;
	s7 =	simm.s32 @!p0 $0x108  }
0x21: {  	s3 =	sadd.s32 s3, s9;
	s6 =	sadd.s32 @!p0 $0x88, s6;
	s7 =	simm.s32 @p2 $0x1082  }
0x22: {  	[simem:s7], [sflag:s8] =	dma.local @!p0 [hbm:s6], $0xF7A  }
0x23: {  	s9 =	sor.u32 $0xD0000000, s2;
	s6 =	simm.s32 $0x108;
	_ =	swait.ge @!p0 [sflag:s8], $0x0  }
0x24: {  	s3 =	sadd.s32 $0x88, s3;
	s6 =	simm.s32 @!p1 $0x1082;
	[sflag:s4] =	ssyncset.s32 $0xFFFFF086  }
0x25: {  	[simem:s6], [sflag:s4] =	dma.local [hbm:s3], $0xF7A  }
0x26: {  	[smem:$0x3F9F] =	sst s1;
	(tag) =	ssettag s2;
	_ =	strace s9  }
0x27: {  	s1 =	sld [smem:$0x3FAF]  }
0x28: {  	s2 =	sld [smem:$0x3FB0]  }
0x29: {  	s4 =	sld [smem:$0x3FB2]  }
0x2a: {  	p0 =	seq.s32 s5, $0x0;
	s5 =	sld [smem:$0x3FB3]  }
0x2b: {  	s6 =	sld [smem:$0x3FB4]  }
0x2c: {  	s7 =	sld [smem:$0x3FB5]  }
0x2d: {  	s3 =	simm.s32 $0x108;
	s8 =	sld [smem:$0x3FB6]  }
0x2e: {  	s3 =	simm.s32 @!p0 $0x1082;
	s9 =	sld [smem:$0x3FB7]  }
0x2f: {  	lr =	sadd.s32 s0, s3;
	s0 =	sld [smem:$0x3FAE]  }
0x30: {  	s3 =	sld [smem:$0x3FB1]  }
0x31: {  	[smem:$0x3FBA] =	sst s10  }
0x32: {  	s10 =	sld [smem:$0x3FB8];
	_ =	sdelay $0x3  }
0x33: {  	p0 =	seq.s32 s10, $0x1;
	s10 =	sld [smem:$0x3FBA];
	_ =	sdelay $0x3  }
0x34: {  	[smem:$0x3FBA] =	sst s10  }
0x35: {  	s10 =	sld [smem:$0x3FB9];
	_ =	sdelay $0x3  }
0x36: {  	p1 =	seq.s32 s10, $0x1;
	s10 =	sld [smem:$0x3FBA];
	_ =	sdelay $0x3  }
0x37: {  	[smem:$0x3FBA] =	sst s10  }
0x38: {  	s10 =	sld [smem:$0x3FBB]  }
0x39: {  	_ = 	snop;
	(pc) =	sbr.ind lr, $3  }
0x3a: {  	_ = 	snop  }
0x3b: {  	_ = 	snop  }
0x3c: {  	p2 =	seq.s32 s10, $0x1;
	s10 =	sld [smem:$0x3FBA]  }
0x3d: {  	_ =	shalt  }
0x3e: {  	_ =	shalt  }
0x3f: {  	_ =	shalt  }
0x40: {  	_ =	shalt  }
0x41: {  	_ =	shalt  }
0x42: {  	_ =	shalt  }
0x43: {  	_ =	shalt  }
0x44: {  	_ =	shalt  }
0x45: {  	_ =	shalt  }
0x46: {  	_ =	shalt  }
0x47: {  	_ =	shalt  }
0x48: {  	_ =	shalt  }
0x49: {  	_ =	shalt  }
0x4a: {  	_ =	shalt  }
0x4b: {  	_ =	shalt  }
0x4c: {  	_ =	shalt  }
0x4d: {  	_ =	shalt  }
0x4e: {  	_ =	shalt  }
0x4f: {  	_ =	shalt  }
0x50: {  	_ =	shalt  }
0x51: {  	_ =	shalt  }
0x52: {  	_ =	shalt  }
0x53: {  	_ =	shalt  }
0x54: {  	_ =	shalt  }
0x55: {  	_ =	shalt  }
0x56: {  	_ =	shalt  }
0x57: {  	_ =	shalt  }
0x58: {  	_ =	shalt  }
0x59: {  	_ =	shalt  }
0x5a: {  	_ =	shalt  }
0x5b: {  	_ =	shalt  }
0x5c: {  	_ =	shalt  }
0x5d: {  	_ =	shalt  }
0x5e: {  	_ =	shalt  }
0x5f: {  	_ =	shalt  }
0x60: {  	_ =	shalt  }
0x61: {  	_ =	shalt  }
0x62: {  	_ =	shalt  }
0x63: {  	_ =	shalt  }
0x64: {  	_ =	shalt  }
0x65: {  	_ =	shalt  }
0x66: {  	_ =	shalt  }
0x67: {  	_ =	shalt  }
0x68: {  	_ =	shalt  }
0x69: {  	_ =	shalt  }
0x6a: {  	_ =	shalt  }
0x6b: {  	_ =	shalt  }
0x6c: {  	_ =	shalt  }
0x6d: {  	_ =	shalt  }
0x6e: {  	_ =	shalt  }
0x6f: {  	_ =	shalt  }
0x70: {  	_ =	shalt  }
0x71: {  	_ =	shalt  }
0x72: {  	_ =	shalt  }
0x73: {  	_ =	shalt  }
0x74: {  	_ =	shalt  }
0x75: {  	_ =	shalt  }
0x76: {  	_ =	shalt  }
0x77: {  	_ =	shalt  }
0x78: {  	_ =	shalt  }
0x79: {  	_ =	shalt  }
0x7a: {  	_ =	shalt  }
0x7b: {  	_ =	shalt  }
0x7c: {  	_ =	shalt  }
0x7d: {  	_ =	shalt  }
0x7e: {  	_ =	shalt  }
0x7f: {  	_ =	shalt  }
0x80: {  	_ =	shalt  }
0x81: {  	_ =	shalt  }
0x82: {  	_ =	shalt  }
0x83: {  	_ =	shalt  }
0x84: {  	_ =	shalt  }
0x85: {  	_ =	shalt  }
0x86: {  	_ =	shalt  }
0x87: {  	_ =	shalt  }
.Lfunc_end0:
.L_simem_size_0:
called_computation_lowered:
.L_overlay_start_0:
0x88: {  	s2 =	sld [smem:$0x3FD9]  }
0x89: {  	s3 =	sld [smem:$0x3FFE];
	_ =	sdelay $0x1  }
0x8a: {  	s1 =	srdreg.scid  }
0x8b: {  	s0 =	sand.u32 $0x1, s1  }
0x8c: {  	s15 =	sshll.u32 s0, $0xA;
	s2 =	sadd.s32 s3, s2  }
0x8d: {  	s2 =	sadd.s32 s2, s15  }
0x8e: {  	[smem:$0x3FC6] =	sst s2  }
0x8f: {  	_ = 	snop  }
0x90: {  	s16 =	sld [smem:$0x3FD0];
	_ =	sdelay $0x2  }
0x91: {  	s4 =	simm.s32 $0xB;
	s5 =	simm.s32 $0x10;
	s2 =	sld [smem:$0x3FC8]  }
0x92: {  	[smem:s5], [sflag:s4] =	dma.local [hbm:s16], $0x1  }
0x93: {  	_ =	swait.eq [sflag:s4], $0x1  }
0x94: {  	[sflag:s4] =	ssyncset.done $0x0  }
0x95: {  	[sflag:s4] =	ssyncadd.s32 $0xFFFFFFFF  }
0x96: {  	s17 =	sld [smem:$0x10];
	(tm) =	ssettm $0x1  }
0x97: {  	s18 =	sld [smem:$0x3FFB];
	_ =	sdelay $0x3  }
0x98: {  	_ =	strace s18  }
0x99: {  	s3 =	sld [smem:$0x3FFC];
	_ =	sdelay $0x3  }
0x9a: {  	_ =	strace s3  }
0x9b: {  	s3 =	sld [smem:$0x3FFD];
	_ =	sdelay $0x3  }
0x9c: {  	_ =	strace s3  }
0x9d: {  	_ =	strace $0x8FFFFFFF  }
0x9e: {  	s19 =	sld [smem:$0x3FDB];
	_ =	sdelay $0x1  }
0x9f: {  	s20 =	simm.s32 $_scs_section_size  }
0xa0: {  	s6 =	simm.s32 $_size__tile_overlayer_lowered;
	s7 =	simm.s32 $_tile_overlayer_lowered  }
0xa1: {  	s8 =	simm.s32 $0x1BFF;
	s21 =	sshll.u32 s7, $0x1;
	s5 =	sadd.s32 s20, s19  }
0xa2: {  	s22 =	simm.s32 $0x0;
	s6 =	sshll.u32 s6, $0x1;
	s7 =	sadd.s32 s21, s5  }
0xa3: {  	[timem:s22], [sflag:s8] =	dma.local [hbm:s7], s6  }
0xa4: {  	_ =	swait.ge [sflag:s8], s6  }
0xa5: {  	s6 =	ssub.s32 $0x0, s6;
	[sflag:s8] =	ssyncset.done $0x0  }
0xa6: {  	[sflag:s8] =	ssyncadd.s32 s6;
	_ =	sdelay $0x1  }
0xa7: {  	s23 =	simm.s32 $0x1B8B  }
0xa8: {  	_ =	swait.ge [sflag:s23], $0x1  }
0xa9: {  	[sflag:s23] =	ssyncset.done $0x0  }
0xaa: {  	[sflag:s23] =	ssyncadd.s32 $0xFFFFFFFF  }
0xab: {  	s6 =	sld [smem:$0x0]  }
0xac: {  	s7 =	sand.u32 $0xFFFFFFFE, s1  }
0xad: {  	p0 =	sne.s32 s1, s7  }
0xae: {  	s7 =	sshll.u32 @p0 s7, $0xE  }
0xaf: {  	s7 =	sadd.s32 @p0 $0x11B8D, s7;
	s8 =	sshll.u32 @p0 s6, $0x11  }
0xb0: {  	s7 =	sor.u32 @p0 s8, s7  }
0xb1: {  	[sflag:s7] =	ssyncadd.remote.s32 @p0 $0x1;
	_ =	sdelay $0x1  }
0xb2: {  	s7 =	simm.s32 @p0 $0x1B8D  }
0xb3: {  	_ =	swait.eq @p0 [sflag:s7], $0x1  }
0xb4: {  	[sflag:s7] =	ssyncadd.s32 @p0 $0xFFFFFFFF  }
0xb5: {  	s8 =	sshll.u32 @!p0 s1, $0xE  }
0xb6: {  	s8 =	sor.u32 @!p0 $0x4000, s8;
	s7 =	simm.s32 @!p0 $0x1B8D  }
0xb7: {  	s6 =	sshll.u32 @!p0 s6, $0x11;
	s8 =	sadd.s32 @!p0 $0x11B8D, s8;
	_ =	swait.eq @!p0 [sflag:s7], $0x1  }
0xb8: {  	s6 =	sor.u32 @!p0 s6, s8;
	[sflag:s7] =	ssyncadd.s32 @!p0 $0xFFFFFFFF  }
0xb9: {  	s25 =	simm.s32 $0x1B8E;
	s24 =	sld [smem:$0x3FFE];
	[sflag:s6] =	ssyncadd.remote.s32 @!p0 $0x1  }
0xba: {  	s26 =	simm.s32 $execute0_lowered;
	[smem:$0x3FD2] =	sst s25  }
0xbb: {  	s7 =	sshll.u32 s26, $0x1;
	_ =	strace $0x80000049;
	[dreg:$0x1] =	wrdreg $0xFFFFFFFF  }
0xbc: {  	s28 =	simm.s32 $_size_execute0_lowered;
	s5 =	sadd.s32 s5, s7;
	[dreg:$0x0] =	wrdreg $0x0  }
0xbd: {  	s7 =	sshll.u32 s28, $0x1;
	[dreg:$0x2] =	wrdreg s5  }
0xbe: {  	[dreg:$0x3] =	wrdreg s7  }
0xbf: {  	[dreg:$0x4] =	wrdreg $0xC0  }
0xc0: {  	_ =	task [dreg:s22], $0x5FFFF  }
0xc1: {  	[dreg:$0x1] =	wrdreg $0xFFFFFFFF  }
0xc2: {  	[dreg:$0x0] =	wrdreg $0x60  }
0xc3: {  	[dreg:$0x2] =	wrdreg s2  }
0xc4: {  	[dreg:$0x3] =	wrdreg s24  }
0xc5: {  	[dreg:$0x4] =	wrdreg s17  }
0xc6: {  	[dreg:$0x5] =	wrdreg $0x9  }
0xc7: {  	_ =	task.clear_ibuf [dreg:s22], $0x6FFFF;
	_ =	strace $0x90000049  }
0xc8: {  	s29 =	simm.s32 $0x9;
	_ =	strace $0x8000004B  }
0xc9: {  	_ =	swait.ge [sflag:s29], $0x1  }
0xca: {  	[sflag:s29] =	ssyncadd.s32 $0xFFFFFFFF  }
0xcb: {  	_ =	strace $0x9000004B  }
0xcc: {  	_ =	sfence  }
0xcd: {  	s30 =	sld [smem:$0x0];
	_ =	sdelay $0x2  }
0xce: {  	s31 =	sshll.u32 s1, $0xD;
	s1 =	sshrl.u32 s1, $0x2  }
0xcf: {  	s4 =	sand.u32 $0x4000, s31;
	s1 =	sadd.s32 s1, s30  }
0xd0: {  	s0 =	sor.u32 s4, s0;
	s1 =	sshll.u32 s1, $0x11  }
0xd1: {  	s0 =	sor.u32 s1, s0  }
0xd2: {  	s0 =	sadd.s32 $0x8F2B, s0  }
0xd3: {  	[sflag:s0] =	ssyncadd.remote.s32 $0x1  }
0xd4: {  	_ =	sfence.sel $0xFFFF  }
0xd5: {  	[dreg:$0x0] =	wrdreg $0xFFFFFFFF;
	(pc) =	sbr.abs _section_cstart, $3  }
0xd6: {  	[dreg:$0x1] =	wrdreg $0xFFFFFFFF  }
0xd7: {  	_ =	task.clear_ibuf [dreg:s22], $0x2FFFF;
	_ =	strace $0x9FFFFFFF  }
0xd8: {  	(tm) =	ssettm $0x7FFFFFFF  }
0xd9: {  	_ =	shalt  }
tec
execute0_lowered:
.L_overlay_start_1:
0x0: {  	(tag) =	ssettag $0x1  }
0x1: {  	s1 =	rddreg [dreg:$0x0]  }
0x2: {  	s2 =	srdreg.scid;
	s4 =	rddreg [dreg:$0x1]  }
0x3: {  	s0 =	stileid.u32;
	s6 =	rddreg [dreg:$0x2]  }
0x4: {  	s3 =	simm.s32 $0x0;
	s9 =	simm.s32 $0x900;
	s10 =	simm.s32 $0x1100  }
0x5: {  	s11 =	simm.s32 $0x1900;
	s12 =	simm.s32 $0x2100;
	s13 =	simm.s32 $0x2900  }
0x6: {  	s14 =	simm.s32 $0x3100;
	s15 =	simm.s32 $0x3900;
	s16 =	simm.s32 $0x4100  }
0x7: {  	s17 =	simm.s32 $0x4900;
	s18 =	simm.s32 $0x5100;
	s19 =	simm.s32 $0x5900  }
0x8: {  	s20 =	simm.s32 $0x6100;
	s21 =	simm.s32 $0x6900;
	s22 =	simm.s32 $0x7100  }
0x9: {  	s23 =	simm.s32 $0x7900;
	s5 =	sand.u32 $0x1, s2;
	s30 =	sshll.u32 s0, $0x1  }
0xa: {  	s24 =	simm.s32 $0x8100;
	s25 =	simm.s32 $0x8900;
	s7 =	sor.u32 s5, s30  }
0xb: {  	s26 =	simm.s32 $0x1;
	s2 =	rddreg [dreg:$0x3];
	s8 =	smul.u32 $0x12, s7  }
0xc: {  	[smem:$0x7FF] =	sst s3;
	s5 =	ssub.s32 $0x2, s5;
	s7 =	smul.u32 $0x1200, s7  }
0xd: {  	v2 =	vlaneseq.u32;
	_ =	strace $0x8000004A;
	s31 =	sshrl.u32 s5, $0x1;
	s4 =	sadd.s32 s8, s4  }
0xe: {  	vm0 =	vmmov $0xffff;
	v1 =	vshrl.u32 v2, $0x3;
	s8 =	ssub.s32 s5, s31;
	s5 =	sadd.s32 s6, s7;
	s7 =	simm.s32 $0x2  }
0xf: {  	v0 =	vand.u32 $0x7, v2;
	v2 =	vor.u32 $0x8, v2;
	v1 =	vmul.u32 $0x8, v1;
	s4 =	sadd.s32 $0x25C00, s4;
	s6 =	smax.u32 s8, $0x1;
	s8 =	simm.s32 $0x100  }
.LBB2_1:
0x10: {  	[tilespmem:s3], [sflag:$0x2] =	stream.linear.gather [hbm4b:s4+s3], $0x90, $0x38;
	[tilespmem:$0x9100] =	vst v63  }
0x11: {  	_ =	swait.ge [sflag:s7], $0x90  }
0x12: {  	[sflag:s7] =	ssyncset.done $0x0  }
0x13: {  	[sflag:s7] =	ssyncadd.s32 $0xFFFFFF70  }
0x14: {  	v3 =	vld [tilespmem:$0x0];
	_ =	sdelay $0x4  }
0x15: {  	v4 =	vshll.u32 v3, $0x1  }
0x16: {  	v3 =	vand.u32 $0x7, v3;
	v4 =	vand.u32 $0xFFFFFFF0, v4  }
0x17: {  	v3 =	vor.u32 v3, v4  }
0x18: {  	v4 =	vperm.xlane v3, v0;
	_ =	sdelay $0x1  }
0x19: {  	v3 =	vperm.xlane v3, v2;
	v4 =	vadd.s32 v1, v4;
	_ =	sdelay $0x1  }
0x1a: {  	v3 =	vadd.s32 v1, v3;
	_ =	sdelay $0x2  }
0x1b: {  	[tilespmem:s8], [sflag:$0x1] =	stream.indirect_vreg.gather [hbm4b:s1+s3], $0x80, v4, vm0, $0xb8;
	[tilespmem:$0x9100] =	vst v63  }
0x1c: {  	_ = 	snop  }
0x1d: {  	[tilespmem:s9], [sflag:$0x1] =	stream.indirect_vreg.gather [hbm4b:s1+s3], $0x80, v3, vm0, $0xb8;
	[tilespmem:$0x9100] =	vst v63  }
0x1e: {  	v3 =	vld [tilespmem:$0x10];
	_ =	sdelay $0x4  }
0x1f: {  	v56 =	vshll.u32 v3, $0x1  }
0x20: {  	v3 =	vand.u32 $0x7, v3;
	v4 =	vand.u32 $0xFFFFFFF0, v56  }
0x21: {  	v3 =	vor.u32 v3, v4  }
0x22: {  	v4 =	vperm.xlane v3, v0;
	_ =	sdelay $0x1  }
0x23: {  	v3 =	vperm.xlane v3, v2;
	v4 =	vadd.s32 v1, v4;
	_ =	sdelay $0x1  }
0x24: {  	v3 =	vadd.s32 v1, v3;
	_ =	sdelay $0x2  }
0x25: {  	[tilespmem:s10], [sflag:$0x1] =	stream.indirect_vreg.gather [hbm4b:s1+s3], $0x80, v4, vm0, $0xb8;
	[tilespmem:$0x9100] =	vst v63  }
0x26: {  	_ = 	snop  }
0x27: {  	[tilespmem:s11], [sflag:$0x1] =	stream.indirect_vreg.gather [hbm4b:s1+s3], $0x80, v3, vm0, $0xb8;
	[tilespmem:$0x9100] =	vst v63  }
0x28: {  	v3 =	vld [tilespmem:$0x20];
	_ =	sdelay $0x4  }
0x29: {  	v57 =	vshll.u32 v3, $0x1  }
0x2a: {  	v3 =	vand.u32 $0x7, v3;
	v4 =	vand.u32 $0xFFFFFFF0, v57  }
0x2b: {  	v3 =	vor.u32 v3, v4  }
0x2c: {  	v4 =	vperm.xlane v3, v0;
	_ =	sdelay $0x1  }
0x2d: {  	v3 =	vperm.xlane v3, v2;
	v4 =	vadd.s32 v1, v4;
	_ =	sdelay $0x1  }
0x2e: {  	v3 =	vadd.s32 v1, v3;
	_ =	sdelay $0x2  }
0x2f: {  	[tilespmem:s12], [sflag:$0x1] =	stream.indirect_vreg.gather [hbm4b:s1+s3], $0x80, v4, vm0, $0xb8;
	[tilespmem:$0x9100] =	vst v63  }
0x30: {  	_ = 	snop  }
0x31: {  	[tilespmem:s13], [sflag:$0x1] =	stream.indirect_vreg.gather [hbm4b:s1+s3], $0x80, v3, vm0, $0xb8;
	[tilespmem:$0x9100] =	vst v63  }
0x32: {  	v3 =	vld [tilespmem:$0x30];
	_ =	sdelay $0x4  }
0x33: {  	v58 =	vshll.u32 v3, $0x1  }
0x34: {  	v3 =	vand.u32 $0x7, v3;
	v4 =	vand.u32 $0xFFFFFFF0, v58  }
0x35: {  	v3 =	vor.u32 v3, v4  }
0x36: {  	v4 =	vperm.xlane v3, v0;
	_ =	sdelay $0x1  }
0x37: {  	v3 =	vperm.xlane v3, v2;
	v4 =	vadd.s32 v1, v4;
	_ =	sdelay $0x1  }
0x38: {  	v3 =	vadd.s32 v1, v3;
	_ =	sdelay $0x2  }
0x39: {  	[tilespmem:s14], [sflag:$0x1] =	stream.indirect_vreg.gather [hbm4b:s1+s3], $0x80, v4, vm0, $0xb8;
	[tilespmem:$0x9100] =	vst v63  }
0x3a: {  	_ = 	snop  }
0x3b: {  	[tilespmem:s15], [sflag:$0x1] =	stream.indirect_vreg.gather [hbm4b:s1+s3], $0x80, v3, vm0, $0xb8;
	[tilespmem:$0x9100] =	vst v63  }
0x3c: {  	v3 =	vld [tilespmem:$0x40];
	_ =	sdelay $0x4  }
0x3d: {  	v59 =	vshll.u32 v3, $0x1  }
0x3e: {  	v3 =	vand.u32 $0x7, v3;
	v4 =	vand.u32 $0xFFFFFFF0, v59  }
0x3f: {  	v3 =	vor.u32 v3, v4  }
0x40: {  	v4 =	vperm.xlane v3, v0;
	_ =	sdelay $0x1  }
0x41: {  	v3 =	vperm.xlane v3, v2;
	v4 =	vadd.s32 v1, v4;
	_ =	sdelay $0x1  }
0x42: {  	v3 =	vadd.s32 v1, v3;
	_ =	sdelay $0x2  }
0x43: {  	[tilespmem:s16], [sflag:$0x1] =	stream.indirect_vreg.gather [hbm4b:s1+s3], $0x80, v4, vm0, $0xb8;
	[tilespmem:$0x9100] =	vst v63  }
0x44: {  	_ = 	snop  }
0x45: {  	[tilespmem:s17], [sflag:$0x1] =	stream.indirect_vreg.gather [hbm4b:s1+s3], $0x80, v3, vm0, $0xb8;
	[tilespmem:$0x9100] =	vst v63  }
0x46: {  	v3 =	vld [tilespmem:$0x50];
	_ =	sdelay $0x4  }
0x47: {  	v60 =	vshll.u32 v3, $0x1  }
0x48: {  	v3 =	vand.u32 $0x7, v3;
	v4 =	vand.u32 $0xFFFFFFF0, v60  }
0x49: {  	v3 =	vor.u32 v3, v4  }
0x4a: {  	v4 =	vperm.xlane v3, v0;
	_ =	sdelay $0x1  }
0x4b: {  	v3 =	vperm.xlane v3, v2;
	v4 =	vadd.s32 v1, v4;
	_ =	sdelay $0x1  }
0x4c: {  	v3 =	vadd.s32 v1, v3;
	_ =	sdelay $0x2  }
0x4d: {  	[tilespmem:s18], [sflag:$0x1] =	stream.indirect_vreg.gather [hbm4b:s1+s3], $0x80, v4, vm0, $0xb8;
	[tilespmem:$0x9100] =	vst v63  }
0x4e: {  	_ = 	snop  }
0x4f: {  	[tilespmem:s19], [sflag:$0x1] =	stream.indirect_vreg.gather [hbm4b:s1+s3], $0x80, v3, vm0, $0xb8;
	[tilespmem:$0x9100] =	vst v63  }
0x50: {  	v3 =	vld [tilespmem:$0x60];
	_ =	sdelay $0x4  }
0x51: {  	v61 =	vshll.u32 v3, $0x1  }
0x52: {  	v3 =	vand.u32 $0x7, v3;
	v4 =	vand.u32 $0xFFFFFFF0, v61  }
0x53: {  	v3 =	vor.u32 v3, v4  }
0x54: {  	v4 =	vperm.xlane v3, v0;
	_ =	sdelay $0x1  }
0x55: {  	v3 =	vperm.xlane v3, v2;
	v4 =	vadd.s32 v1, v4;
	_ =	sdelay $0x1  }
0x56: {  	v3 =	vadd.s32 v1, v3;
	_ =	sdelay $0x2  }
0x57: {  	[tilespmem:s20], [sflag:$0x1] =	stream.indirect_vreg.gather [hbm4b:s1+s3], $0x80, v4, vm0, $0xb8;
	[tilespmem:$0x9100] =	vst v63  }
0x58: {  	_ = 	snop  }
0x59: {  	[tilespmem:s21], [sflag:$0x1] =	stream.indirect_vreg.gather [hbm4b:s1+s3], $0x80, v3, vm0, $0xb8;
	[tilespmem:$0x9100] =	vst v63  }
0x5a: {  	v3 =	vld [tilespmem:$0x70];
	_ =	sdelay $0x4  }
0x5b: {  	v62 =	vshll.u32 v3, $0x1  }
0x5c: {  	v3 =	vand.u32 $0x7, v3;
	v4 =	vand.u32 $0xFFFFFFF0, v62  }
0x5d: {  	v3 =	vor.u32 v3, v4  }
0x5e: {  	v4 =	vperm.xlane v3, v0;
	_ =	sdelay $0x1  }
0x5f: {  	v3 =	vperm.xlane v3, v2;
	v4 =	vadd.s32 v1, v4;
	_ =	sdelay $0x1  }
0x60: {  	v3 =	vadd.s32 v1, v3;
	_ =	sdelay $0x2  }
0x61: {  	[tilespmem:s22], [sflag:$0x1] =	stream.indirect_vreg.gather [hbm4b:s1+s3], $0x80, v4, vm0, $0xb8;
	[tilespmem:$0x9100] =	vst v63  }
0x62: {  	_ = 	snop  }
0x63: {  	[tilespmem:s23], [sflag:$0x1] =	stream.indirect_vreg.gather [hbm4b:s1+s3], $0x80, v3, vm0, $0xb8;
	[tilespmem:$0x9100] =	vst v63  }
0x64: {  	v3 =	vld [tilespmem:$0x80];
	_ =	sdelay $0x4  }
0x65: {  	v63 =	vshll.u32 v3, $0x1  }
0x66: {  	v3 =	vand.u32 $0x7, v3;
	v4 =	vand.u32 $0xFFFFFFF0, v63  }
0x67: {  	v3 =	vor.u32 v3, v4  }
0x68: {  	v4 =	vperm.xlane v3, v0;
	_ =	sdelay $0x1  }
0x69: {  	v3 =	vperm.xlane v3, v2;
	v4 =	vadd.s32 v1, v4;
	_ =	sdelay $0x1  }
0x6a: {  	v3 =	vadd.s32 v1, v3;
	_ =	sdelay $0x2  }
0x6b: {  	[tilespmem:s24], [sflag:$0x1] =	stream.indirect_vreg.gather [hbm4b:s1+s3], $0x80, v4, vm0, $0xb8;
	[tilespmem:$0x9100] =	vst v63  }
0x6c: {  	_ = 	snop  }
0x6d: {  	[tilespmem:s25], [sflag:$0x1] =	stream.indirect_vreg.gather [hbm4b:s1+s3], $0x80, v3, vm0, $0xb8;
	[tilespmem:$0x9100] =	vst v63  }
0x6e: {  	_ =	swait.ge [sflag:s26], $0x9000  }
0x6f: {  	p0 =	sne.s32 s6, $0x1;
	[sflag:s26] =	ssyncset.done $0x0  }
.Ltmp0:
0x70: {  	[sflag:s26] =	ssyncadd.s32 $0xFFFF7000;
	(pc) =	sbr.rel @p0 .LBB2_1-.Ltmp0, $4  }
0x71: {  	[hbm4b:s5+s3] =	stream.linear.scatter [tilespmem:s8], [sflag:$0x2], $0x9000, $0x38;
	[tilespmem:$0x9100] =	vst v63  }
0x72: {  	_ =	swait.ge [sflag:s7], $0x9000  }
0x73: {  	[sflag:s7] =	ssyncset.done $0x0  }
0x74: {  	s6 =	sadd.s32 $0xFFFFFFFF, s6;
	[sflag:s7] =	ssyncadd.s32 $0xFFFF7000  }
0x75: {  	_ =	sfence.sel $0x180000  }
0x76: {  	[bflag:$0x0] =	sbarrier.arrive $0xFFFF  }
0x77: {  	p0 =	sne.s32 s0, $0x0;
	_ =	strace $0x9000004A  }
0x78: {  	s0 =	sadd.s32 @!p0 $0x100000, s2;
	[bflag:$0x2] =	sbarrier.arrive $0xFFFF  }
0x79: {  	[sflag:s0] =	ssyncadd.tile.s32 @!p0 $0x1;
	_ =	shalt  }
.Lfunc_end2:
_tile_overlayer_lowered:
.L_overlay_start_2:
0x7a: {  	(tag) =	ssettag $0x2  }
0x7b: {  	s0 =	rddreg [dreg:$0x0];
	s2 =	stileid.u32  }
0x7c: {  	s1 =	rddreg [dreg:$0x1];
	p0 =	sne.s32 s2, $0x0  }
0x7d: {  	s3 =	rddreg [dreg:$0x2];
	[bflag:$0x3] =	sbarrier.arrive $0xFFFF;
	s2 =	simm.s32 @!p0 $0x1C02  }
0x7e: {  	[timem:s3], [sflag:s2] =	dma.local @!p0 [hbm:s0], s1  }
0x7f: {  	s0 =	simm.s32 @!p0 $0x2  }
0x80: {  	_ =	swait.ge @!p0 [sflag:s0], s1  }
0x81: {  	s1 =	ssub.s32 @!p0 $0x0, s1;
	[sflag:s0] =	ssyncset.done @!p0 $0x0  }
0x82: {  	[sflag:s0] =	ssyncadd.s32 @!p0 s1  }
0x83: {  	[bflag:$0x3] =	sbarrier.arrive $0xFFFF  }
0x84: {  	_ =	shalt  }

// kernel: kernel.9.cloned.1.call-start
scs
__scs_entry_jumppad:
0x0: {  	(pc) =	sbr.rel $0x88, $3  }
0x1: {  	(tag) =	ssettag $0x0;
	lr =	simm.s32 $0x1  }
0x2: {  	[smem:$0x3F9F] =	sst lr;
	_ =	strace $0xD0000000  }
0x3: {  	_ = 	snop  }
0x4: {  	_ = 	snop  }
0x5: {  	_ = 	snop  }
0x6: {  	_ = 	snop  }
0x7: {  	_ = 	snop  }
__scs_overlays_trampoline_lowered:
0x8: {  	[smem:$0x3FAE] =	sst s0  }
0x9: {  	[smem:$0x3FAF] =	sst s1  }
0xa: {  	[smem:$0x3FB0] =	sst s2  }
0xb: {  	[smem:$0x3FB1] =	sst s3  }
0xc: {  	[smem:$0x3FB2] =	sst s4  }
0xd: {  	[smem:$0x3FB3] =	sst s5  }
0xe: {  	[smem:$0x3FB4] =	sst s6  }
0xf: {  	[smem:$0x3FB5] =	sst s7  }
0x10: {  	[smem:$0x3FB6] =	sst s8  }
0x11: {  	[smem:$0x3FB7] =	sst s9;
	s0 =	simm.s32 @!p0 $0x0  }
0x12: {  	s1 =	sld [smem:$0x3F9D];
	s0 =	simm.s32 @p0 $0x1  }
0x13: {  	[smem:$0x3FB8] =	sst s0;
	s0 =	simm.s32 @!p1 $0x0  }
0x14: {  	s2 =	sld [smem:$0x3F9C];
	s0 =	simm.s32 @p1 $0x1  }
0x15: {  	[smem:$0x3FB9] =	sst s0;
	s0 =	simm.s32 @!p2 $0x0  }
0x16: {  	s3 =	sld [smem:$0x3FDB];
	s0 =	simm.s32 @p2 $0x1  }
0x17: {  	s4 =	simm.s32 $0x1BF5;
	[smem:$0x3FBB] =	sst s0  }
0x18: {  	s0 =	sld [smem:$0x3F9E];
	_ =	swait.ge [sflag:s4], $0x0  }
0x19: {  	s7 =	sld [smem:$0x3F9F]  }
0x1a: {  	s8 =	sadd.s32 $0xFFFFE003, lr  }
0x1b: {  	s9 =	sadd.s32 $0xFFFFFEF7, lr;
	s5 =	simm.s32 $0xFFFFFFFF;
	p2 =	slt.u32 s8, $0xFFFFF086  }
0x1c: {  	p1 =	slt.u32 s9, $0xF7A;
	s5 =	simm.s32 @!p2 $0x0  }
0x1d: {  	s5 =	simm.s32 @p1 $0x1;
	p0 =	seq.s32 s7, s2  }
0x1e: {  	s7 =	smul.u32 @!p0 $0xF7A, s2;
	p2 =	seq.s32 @!p0 s5, $0x0  }
0x1f: {  	s9 =	smul.u32 $0xF7A, s1;
	s8 =	simm.s32 @!p0 $0x1BF5;
	p2 =	por !p2, p0  }
0x20: {  	[sflag:s8] =	ssyncset.s32 @!p0 $0xFFFFF086;
	s6 =	sadd.s32 @!p0 s3, s7;
	s7 =	simm.s32 @!p0 $0x108  }
0x21: {  	s3 =	sadd.s32 s3, s9;
	s6 =	sadd.s32 @!p0 $0x88, s6;
	s7 =	simm.s32 @p2 $0x1082  }
0x22: {  	[simem:s7], [sflag:s8] =	dma.local @!p0 [hbm:s6], $0xF7A  }
0x23: {  	s9 =	sor.u32 $0xD0000000, s2;
	s6 =	simm.s32 $0x108;
	_ =	swait.ge @!p0 [sflag:s8], $0x0  }
0x24: {  	s3 =	sadd.s32 $0x88, s3;
	s6 =	simm.s32 @!p1 $0x1082;
	[sflag:s4] =	ssyncset.s32 $0xFFFFF086  }
0x25: {  	[simem:s6], [sflag:s4] =	dma.local [hbm:s3], $0xF7A  }
0x26: {  	[smem:$0x3F9F] =	sst s1;
	(tag) =	ssettag s2;
	_ =	strace s9  }
0x27: {  	s1 =	sld [smem:$0x3FAF]  }
0x28: {  	s2 =	sld [smem:$0x3FB0]  }
0x29: {  	s4 =	sld [smem:$0x3FB2]  }
0x2a: {  	p0 =	seq.s32 s5, $0x0;
	s5 =	sld [smem:$0x3FB3]  }
0x2b: {  	s6 =	sld [smem:$0x3FB4]  }
0x2c: {  	s7 =	sld [smem:$0x3FB5]  }
0x2d: {  	s3 =	simm.s32 $0x108;
	s8 =	sld [smem:$0x3FB6]  }
0x2e: {  	s3 =	simm.s32 @!p0 $0x1082;
	s9 =	sld [smem:$0x3FB7]  }
0x2f: {  	lr =	sadd.s32 s0, s3;
	s0 =	sld [smem:$0x3FAE]  }
0x30: {  	s3 =	sld [smem:$0x3FB1]  }
0x31: {  	[smem:$0x3FBA] =	sst s10  }
0x32: {  	s10 =	sld [smem:$0x3FB8];
	_ =	sdelay $0x3  }
0x33: {  	p0 =	seq.s32 s10, $0x1;
	s10 =	sld [smem:$0x3FBA];
	_ =	sdelay $0x3  }
0x34: {  	[smem:$0x3FBA] =	sst s10  }
0x35: {  	s10 =	sld [smem:$0x3FB9];
	_ =	sdelay $0x3  }
0x36: {  	p1 =	seq.s32 s10, $0x1;
	s10 =	sld [smem:$0x3FBA];
	_ =	sdelay $0x3  }
0x37: {  	[smem:$0x3FBA] =	sst s10  }
0x38: {  	s10 =	sld [smem:$0x3FBB]  }
0x39: {  	_ = 	snop;
	(pc) =	sbr.ind lr, $3  }
0x3a: {  	_ = 	snop  }
0x3b: {  	_ = 	snop  }
0x3c: {  	p2 =	seq.s32 s10, $0x1;
	s10 =	sld [smem:$0x3FBA]  }
0x3d: {  	_ =	shalt  }
0x3e: {  	_ =	shalt  }
0x3f: {  	_ =	shalt  }
0x40: {  	_ =	shalt  }
0x41: {  	_ =	shalt  }
0x42: {  	_ =	shalt  }
0x43: {  	_ =	shalt  }
0x44: {  	_ =	shalt  }
0x45: {  	_ =	shalt  }
0x46: {  	_ =	shalt  }
0x47: {  	_ =	shalt  }
0x48: {  	_ =	shalt  }
0x49: {  	_ =	shalt  }
0x4a: {  	_ =	shalt  }
0x4b: {  	_ =	shalt  }
0x4c: {  	_ =	shalt  }
0x4d: {  	_ =	shalt  }
0x4e: {  	_ =	shalt  }
0x4f: {  	_ =	shalt  }
0x50: {  	_ =	shalt  }
0x51: {  	_ =	shalt  }
0x52: {  	_ =	shalt  }
0x53: {  	_ =	shalt  }
0x54: {  	_ =	shalt  }
0x55: {  	_ =	shalt  }
0x56: {  	_ =	shalt  }
0x57: {  	_ =	shalt  }
0x58: {  	_ =	shalt  }
0x59: {  	_ =	shalt  }
0x5a: {  	_ =	shalt  }
0x5b: {  	_ =	shalt  }
0x5c: {  	_ =	shalt  }
0x5d: {  	_ =	shalt  }
0x5e: {  	_ =	shalt  }
0x5f: {  	_ =	shalt  }
0x60: {  	_ =	shalt  }
0x61: {  	_ =	shalt  }
0x62: {  	_ =	shalt  }
0x63: {  	_ =	shalt  }
0x64: {  	_ =	shalt  }
0x65: {  	_ =	shalt  }
0x66: {  	_ =	shalt  }
0x67: {  	_ =	shalt  }
0x68: {  	_ =	shalt  }
0x69: {  	_ =	shalt  }
0x6a: {  	_ =	shalt  }
0x6b: {  	_ =	shalt  }
0x6c: {  	_ =	shalt  }
0x6d: {  	_ =	shalt  }
0x6e: {  	_ =	shalt  }
0x6f: {  	_ =	shalt  }
0x70: {  	_ =	shalt  }
0x71: {  	_ =	shalt  }
0x72: {  	_ =	shalt  }
0x73: {  	_ =	shalt  }
0x74: {  	_ =	shalt  }
0x75: {  	_ =	shalt  }
0x76: {  	_ =	shalt  }
0x77: {  	_ =	shalt  }
0x78: {  	_ =	shalt  }
0x79: {  	_ =	shalt  }
0x7a: {  	_ =	shalt  }
0x7b: {  	_ =	shalt  }
0x7c: {  	_ =	shalt  }
0x7d: {  	_ =	shalt  }
0x7e: {  	_ =	shalt  }
0x7f: {  	_ =	shalt  }
0x80: {  	_ =	shalt  }
0x81: {  	_ =	shalt  }
0x82: {  	_ =	shalt  }
0x83: {  	_ =	shalt  }
0x84: {  	_ =	shalt  }
0x85: {  	_ =	shalt  }
0x86: {  	_ =	shalt  }
0x87: {  	_ =	shalt  }
.Lfunc_end0:
.L_simem_size_0:
called_computation.1_lowered:
.L_overlay_start_0:
0x88: {  	s2 =	sld [smem:$0x3FD9]  }
0x89: {  	s3 =	sld [smem:$0x3FFE];
	_ =	sdelay $0x1  }
0x8a: {  	s1 =	srdreg.scid  }
0x8b: {  	s0 =	sand.u32 $0x1, s1  }
0x8c: {  	s17 =	sshll.u32 s0, $0xA;
	s2 =	sadd.s32 s3, s2  }
0x8d: {  	s2 =	sadd.s32 s2, s17  }
0x8e: {  	[smem:$0x3FC6] =	sst s2  }
0x8f: {  	_ = 	snop  }
0x90: {  	s2 =	sld [smem:$0x3FC8];
	(tm) =	ssettm $0x1  }
0x91: {  	s18 =	sld [smem:$0x3FFB];
	_ =	sdelay $0x3  }
0x92: {  	_ =	strace s18  }
0x93: {  	s3 =	sld [smem:$0x3FFC];
	_ =	sdelay $0x3  }
0x94: {  	_ =	strace s3  }
0x95: {  	s3 =	sld [smem:$0x3FFD];
	_ =	sdelay $0x3  }
0x96: {  	_ =	strace s3  }
0x97: {  	_ =	strace $0x8FFFFFFF  }
0x98: {  	s19 =	sld [smem:$0x3FDB];
	_ =	sdelay $0x1  }
0x99: {  	s4 =	simm.s32 $_scs_section_size  }
0x9a: {  	s5 =	simm.s32 $_size__tile_overlayer_lowered;
	s6 =	simm.s32 $_tile_overlayer_lowered  }
0x9b: {  	s22 =	simm.s32 $0x1BFF;
	s21 =	sshll.u32 s6, $0x1;
	s3 =	sadd.s32 s4, s19  }
0x9c: {  	s7 =	simm.s32 $0x0;
	s20 =	sshll.u32 s5, $0x1;
	s5 =	sadd.s32 s21, s3  }
0x9d: {  	[timem:s7], [sflag:s22] =	dma.local [hbm:s5], s20  }
0x9e: {  	_ =	swait.ge [sflag:s22], s20  }
0x9f: {  	s4 =	ssub.s32 $0x0, s20;
	[sflag:s22] =	ssyncset.done $0x0  }
0xa0: {  	[sflag:s22] =	ssyncadd.s32 s4;
	_ =	sdelay $0x1  }
0xa1: {  	s23 =	simm.s32 $0x1B8B  }
0xa2: {  	_ =	swait.ge [sflag:s23], $0x1  }
0xa3: {  	[sflag:s23] =	ssyncset.done $0x0  }
0xa4: {  	s25 =	simm.s32 $0x1B8E;
	s24 =	sld [smem:$0x3FFE];
	[sflag:s23] =	ssyncadd.s32 $0xFFFFFFFF  }
0xa5: {  	s26 =	simm.s32 $execute0_lowered;
	[smem:$0x3FD2] =	sst s25  }
0xa6: {  	s5 =	sshll.u32 s26, $0x1;
	_ =	strace $0x80000046;
	[dreg:$0x1] =	wrdreg $0xFFFFFFFF  }
0xa7: {  	s28 =	simm.s32 $_size_execute0_lowered;
	s3 =	sadd.s32 s3, s5;
	[dreg:$0x0] =	wrdreg $0x0  }
0xa8: {  	s5 =	sshll.u32 s28, $0x1;
	[dreg:$0x2] =	wrdreg s3  }
0xa9: {  	[dreg:$0x3] =	wrdreg s5  }
0xaa: {  	[dreg:$0x4] =	wrdreg $0xC0  }
0xab: {  	_ =	task [dreg:s7], $0x5FFFF  }
0xac: {  	[dreg:$0x1] =	wrdreg $0xFFFFFFFF  }
0xad: {  	[dreg:$0x0] =	wrdreg $0x60  }
0xae: {  	[dreg:$0x2] =	wrdreg s2  }
0xaf: {  	[dreg:$0x3] =	wrdreg s24  }
0xb0: {  	[dreg:$0x4] =	wrdreg $0xA  }
0xb1: {  	_ =	task.clear_ibuf [dreg:s7], $0x5FFFF;
	_ =	strace $0x90000046  }
0xb2: {  	s29 =	simm.s32 $0xA;
	_ =	strace $0x80000048  }
0xb3: {  	_ =	swait.ge [sflag:s29], $0x1  }
0xb4: {  	[sflag:s29] =	ssyncadd.s32 $0xFFFFFFFF  }
0xb5: {  	_ =	strace $0x90000048  }
0xb6: {  	_ =	sfence  }
0xb7: {  	s30 =	sld [smem:$0x0];
	_ =	sdelay $0x2  }
0xb8: {  	s31 =	sshll.u32 s1, $0xD;
	s1 =	sshrl.u32 s1, $0x2  }
0xb9: {  	s3 =	sand.u32 $0x4000, s31;
	s1 =	sadd.s32 s1, s30  }
0xba: {  	s0 =	sor.u32 s3, s0;
	s1 =	sshll.u32 s1, $0x11  }
0xbb: {  	s0 =	sor.u32 s1, s0  }
0xbc: {  	s0 =	sadd.s32 $0x8F2B, s0  }
0xbd: {  	[sflag:s0] =	ssyncadd.remote.s32 $0x1  }
0xbe: {  	_ =	sfence.sel $0xFFFF  }
0xbf: {  	[dreg:$0x0] =	wrdreg $0xFFFFFFFF;
	(pc) =	sbr.abs _section_cstart, $3  }
0xc0: {  	[dreg:$0x1] =	wrdreg $0xFFFFFFFF  }
0xc1: {  	_ =	task.clear_ibuf [dreg:s7], $0x2FFFF;
	_ =	strace $0x9FFFFFFF  }
0xc2: {  	(tm) =	ssettm $0x7FFFFFFF  }
0xc3: {  	_ =	shalt  }
tec
execute0_lowered:
.L_overlay_start_1:
0x0: {  	(tag) =	ssettag $0x1  }
0x1: {  	s1 =	srdreg.scid;
	s2 =	rddreg [dreg:$0x0]  }
0x2: {  	s0 =	stileid.u32;
	s5 =	rddreg [dreg:$0x1];
	s3 =	simm.s32 $0x0  }
0x3: {  	s8 =	simm.s32 $0x100;
	s9 =	simm.s32 $0x900;
	s10 =	simm.s32 $0x1100  }
0x4: {  	s11 =	simm.s32 $0x1900;
	s12 =	simm.s32 $0x2100;
	s13 =	simm.s32 $0x2900  }
0x5: {  	s14 =	simm.s32 $0x3100;
	s15 =	simm.s32 $0x3900;
	s16 =	simm.s32 $0x4100  }
0x6: {  	s17 =	simm.s32 $0x4900;
	s18 =	simm.s32 $0x5100;
	s19 =	simm.s32 $0x5900  }
0x7: {  	s20 =	simm.s32 $0x6100;
	s21 =	simm.s32 $0x6900;
	s22 =	simm.s32 $0x7100  }
0x8: {  	s23 =	simm.s32 $0x7900;
	s4 =	sand.u32 $0x1, s1;
	s30 =	sshll.u32 s0, $0x1  }
0x9: {  	s24 =	simm.s32 $0x8100;
	s25 =	simm.s32 $0x8900;
	s6 =	sor.u32 s4, s30  }
0xa: {  	s26 =	simm.s32 $0x1;
	s1 =	rddreg [dreg:$0x2];
	s7 =	smul.u32 $0x12, s6  }
0xb: {  	[smem:$0x7FF] =	sst s3;
	s4 =	ssub.s32 $0x2, s4;
	s6 =	smul.u32 $0x1200, s6  }
0xc: {  	v2 =	vlaneseq.u32;
	_ =	strace $0x80000047;
	s31 =	sshrl.u32 s4, $0x1;
	s7 =	sadd.s32 s7, s5  }
0xd: {  	vm0 =	vmmov $0xffff;
	v1 =	vshrl.u32 v2, $0x3;
	s5 =	sadd.s32 s6, s5;
	s6 =	ssub.s32 s4, s31;
	s4 =	sadd.s32 $0x1800, s7  }
0xe: {  	v0 =	vand.u32 $0x7, v2;
	v2 =	vor.u32 $0x8, v2;
	v1 =	vmul.u32 $0x8, v1;
	s5 =	sadd.s32 $0x1C00, s5;
	s6 =	smax.u32 s6, $0x1;
	s7 =	simm.s32 $0x2  }
.LBB2_1:
0xf: {  	[tilespmem:s3], [sflag:$0x2] =	stream.linear.gather [hbm4b:s4+s3], $0x90, $0x38;
	[tilespmem:$0x9100] =	vst v63  }
0x10: {  	_ =	swait.ge [sflag:s7], $0x90  }
0x11: {  	[sflag:s7] =	ssyncset.done $0x0  }
0x12: {  	[sflag:s7] =	ssyncadd.s32 $0xFFFFFF70  }
0x13: {  	v3 =	vld [tilespmem:$0x0];
	_ =	sdelay $0x4  }
0x14: {  	v4 =	vshll.u32 v3, $0x1  }
0x15: {  	v3 =	vand.u32 $0x7, v3;
	v4 =	vand.u32 $0xFFFFFFF0, v4  }
0x16: {  	v3 =	vor.u32 v3, v4  }
0x17: {  	v4 =	vperm.xlane v3, v0;
	_ =	sdelay $0x1  }
0x18: {  	v3 =	vperm.xlane v3, v2;
	v4 =	vadd.s32 v1, v4;
	_ =	sdelay $0x1  }
0x19: {  	v3 =	vadd.s32 v1, v3;
	_ =	sdelay $0x2  }
0x1a: {  	[tilespmem:s8], [sflag:$0x1] =	stream.indirect_vreg.gather [hbm4b:s2+s3], $0x80, v4, vm0, $0xb8;
	[tilespmem:$0x9100] =	vst v63  }
0x1b: {  	_ = 	snop  }
0x1c: {  	[tilespmem:s9], [sflag:$0x1] =	stream.indirect_vreg.gather [hbm4b:s2+s3], $0x80, v3, vm0, $0xb8;
	[tilespmem:$0x9100] =	vst v63  }
0x1d: {  	v3 =	vld [tilespmem:$0x10];
	_ =	sdelay $0x4  }
0x1e: {  	v56 =	vshll.u32 v3, $0x1  }
0x1f: {  	v3 =	vand.u32 $0x7, v3;
	v4 =	vand.u32 $0xFFFFFFF0, v56  }
0x20: {  	v3 =	vor.u32 v3, v4  }
0x21: {  	v4 =	vperm.xlane v3, v0;
	_ =	sdelay $0x1  }
0x22: {  	v3 =	vperm.xlane v3, v2;
	v4 =	vadd.s32 v1, v4;
	_ =	sdelay $0x1  }
0x23: {  	v3 =	vadd.s32 v1, v3;
	_ =	sdelay $0x2  }
0x24: {  	[tilespmem:s10], [sflag:$0x1] =	stream.indirect_vreg.gather [hbm4b:s2+s3], $0x80, v4, vm0, $0xb8;
	[tilespmem:$0x9100] =	vst v63  }
0x25: {  	_ = 	snop  }
0x26: {  	[tilespmem:s11], [sflag:$0x1] =	stream.indirect_vreg.gather [hbm4b:s2+s3], $0x80, v3, vm0, $0xb8;
	[tilespmem:$0x9100] =	vst v63  }
0x27: {  	v3 =	vld [tilespmem:$0x20];
	_ =	sdelay $0x4  }
0x28: {  	v57 =	vshll.u32 v3, $0x1  }
0x29: {  	v3 =	vand.u32 $0x7, v3;
	v4 =	vand.u32 $0xFFFFFFF0, v57  }
0x2a: {  	v3 =	vor.u32 v3, v4  }
0x2b: {  	v4 =	vperm.xlane v3, v0;
	_ =	sdelay $0x1  }
0x2c: {  	v3 =	vperm.xlane v3, v2;
	v4 =	vadd.s32 v1, v4;
	_ =	sdelay $0x1  }
0x2d: {  	v3 =	vadd.s32 v1, v3;
	_ =	sdelay $0x2  }
0x2e: {  	[tilespmem:s12], [sflag:$0x1] =	stream.indirect_vreg.gather [hbm4b:s2+s3], $0x80, v4, vm0, $0xb8;
	[tilespmem:$0x9100] =	vst v63  }
0x2f: {  	_ = 	snop  }
0x30: {  	[tilespmem:s13], [sflag:$0x1] =	stream.indirect_vreg.gather [hbm4b:s2+s3], $0x80, v3, vm0, $0xb8;
	[tilespmem:$0x9100] =	vst v63  }
0x31: {  	v3 =	vld [tilespmem:$0x30];
	_ =	sdelay $0x4  }
0x32: {  	v58 =	vshll.u32 v3, $0x1  }
0x33: {  	v3 =	vand.u32 $0x7, v3;
	v4 =	vand.u32 $0xFFFFFFF0, v58  }
0x34: {  	v3 =	vor.u32 v3, v4  }
0x35: {  	v4 =	vperm.xlane v3, v0;
	_ =	sdelay $0x1  }
0x36: {  	v3 =	vperm.xlane v3, v2;
	v4 =	vadd.s32 v1, v4;
	_ =	sdelay $0x1  }
0x37: {  	v3 =	vadd.s32 v1, v3;
	_ =	sdelay $0x2  }
0x38: {  	[tilespmem:s14], [sflag:$0x1] =	stream.indirect_vreg.gather [hbm4b:s2+s3], $0x80, v4, vm0, $0xb8;
	[tilespmem:$0x9100] =	vst v63  }
0x39: {  	_ = 	snop  }
0x3a: {  	[tilespmem:s15], [sflag:$0x1] =	stream.indirect_vreg.gather [hbm4b:s2+s3], $0x80, v3, vm0, $0xb8;
	[tilespmem:$0x9100] =	vst v63  }
0x3b: {  	v3 =	vld [tilespmem:$0x40];
	_ =	sdelay $0x4  }
0x3c: {  	v59 =	vshll.u32 v3, $0x1  }
0x3d: {  	v3 =	vand.u32 $0x7, v3;
	v4 =	vand.u32 $0xFFFFFFF0, v59  }
0x3e: {  	v3 =	vor.u32 v3, v4  }
0x3f: {  	v4 =	vperm.xlane v3, v0;
	_ =	sdelay $0x1  }
0x40: {  	v3 =	vperm.xlane v3, v2;
	v4 =	vadd.s32 v1, v4;
	_ =	sdelay $0x1  }
0x41: {  	v3 =	vadd.s32 v1, v3;
	_ =	sdelay $0x2  }
0x42: {  	[tilespmem:s16], [sflag:$0x1] =	stream.indirect_vreg.gather [hbm4b:s2+s3], $0x80, v4, vm0, $0xb8;
	[tilespmem:$0x9100] =	vst v63  }
0x43: {  	_ = 	snop  }
0x44: {  	[tilespmem:s17], [sflag:$0x1] =	stream.indirect_vreg.gather [hbm4b:s2+s3], $0x80, v3, vm0, $0xb8;
	[tilespmem:$0x9100] =	vst v63  }
0x45: {  	v3 =	vld [tilespmem:$0x50];
	_ =	sdelay $0x4  }
0x46: {  	v60 =	vshll.u32 v3, $0x1  }
0x47: {  	v3 =	vand.u32 $0x7, v3;
	v4 =	vand.u32 $0xFFFFFFF0, v60  }
0x48: {  	v3 =	vor.u32 v3, v4  }
0x49: {  	v4 =	vperm.xlane v3, v0;
	_ =	sdelay $0x1  }
0x4a: {  	v3 =	vperm.xlane v3, v2;
	v4 =	vadd.s32 v1, v4;
	_ =	sdelay $0x1  }
0x4b: {  	v3 =	vadd.s32 v1, v3;
	_ =	sdelay $0x2  }
0x4c: {  	[tilespmem:s18], [sflag:$0x1] =	stream.indirect_vreg.gather [hbm4b:s2+s3], $0x80, v4, vm0, $0xb8;
	[tilespmem:$0x9100] =	vst v63  }
0x4d: {  	_ = 	snop  }
0x4e: {  	[tilespmem:s19], [sflag:$0x1] =	stream.indirect_vreg.gather [hbm4b:s2+s3], $0x80, v3, vm0, $0xb8;
	[tilespmem:$0x9100] =	vst v63  }
0x4f: {  	v3 =	vld [tilespmem:$0x60];
	_ =	sdelay $0x4  }
0x50: {  	v61 =	vshll.u32 v3, $0x1  }
0x51: {  	v3 =	vand.u32 $0x7, v3;
	v4 =	vand.u32 $0xFFFFFFF0, v61  }
0x52: {  	v3 =	vor.u32 v3, v4  }
0x53: {  	v4 =	vperm.xlane v3, v0;
	_ =	sdelay $0x1  }
0x54: {  	v3 =	vperm.xlane v3, v2;
	v4 =	vadd.s32 v1, v4;
	_ =	sdelay $0x1  }
0x55: {  	v3 =	vadd.s32 v1, v3;
	_ =	sdelay $0x2  }
0x56: {  	[tilespmem:s20], [sflag:$0x1] =	stream.indirect_vreg.gather [hbm4b:s2+s3], $0x80, v4, vm0, $0xb8;
	[tilespmem:$0x9100] =	vst v63  }
0x57: {  	_ = 	snop  }
0x58: {  	[tilespmem:s21], [sflag:$0x1] =	stream.indirect_vreg.gather [hbm4b:s2+s3], $0x80, v3, vm0, $0xb8;
	[tilespmem:$0x9100] =	vst v63  }
0x59: {  	v3 =	vld [tilespmem:$0x70];
	_ =	sdelay $0x4  }
0x5a: {  	v62 =	vshll.u32 v3, $0x1  }
0x5b: {  	v3 =	vand.u32 $0x7, v3;
	v4 =	vand.u32 $0xFFFFFFF0, v62  }
0x5c: {  	v3 =	vor.u32 v3, v4  }
0x5d: {  	v4 =	vperm.xlane v3, v0;
	_ =	sdelay $0x1  }
0x5e: {  	v3 =	vperm.xlane v3, v2;
	v4 =	vadd.s32 v1, v4;
	_ =	sdelay $0x1  }
0x5f: {  	v3 =	vadd.s32 v1, v3;
	_ =	sdelay $0x2  }
0x60: {  	[tilespmem:s22], [sflag:$0x1] =	stream.indirect_vreg.gather [hbm4b:s2+s3], $0x80, v4, vm0, $0xb8;
	[tilespmem:$0x9100] =	vst v63  }
0x61: {  	_ = 	snop  }
0x62: {  	[tilespmem:s23], [sflag:$0x1] =	stream.indirect_vreg.gather [hbm4b:s2+s3], $0x80, v3, vm0, $0xb8;
	[tilespmem:$0x9100] =	vst v63  }
0x63: {  	v3 =	vld [tilespmem:$0x80];
	_ =	sdelay $0x4  }
0x64: {  	v63 =	vshll.u32 v3, $0x1  }
0x65: {  	v3 =	vand.u32 $0x7, v3;
	v4 =	vand.u32 $0xFFFFFFF0, v63  }
0x66: {  	v3 =	vor.u32 v3, v4  }
0x67: {  	v4 =	vperm.xlane v3, v0;
	_ =	sdelay $0x1  }
0x68: {  	v3 =	vperm.xlane v3, v2;
	v4 =	vadd.s32 v1, v4;
	_ =	sdelay $0x1  }
0x69: {  	v3 =	vadd.s32 v1, v3;
	_ =	sdelay $0x2  }
0x6a: {  	[tilespmem:s24], [sflag:$0x1] =	stream.indirect_vreg.gather [hbm4b:s2+s3], $0x80, v4, vm0, $0xb8;
	[tilespmem:$0x9100] =	vst v63  }
0x6b: {  	_ = 	snop  }
0x6c: {  	[tilespmem:s25], [sflag:$0x1] =	stream.indirect_vreg.gather [hbm4b:s2+s3], $0x80, v3, vm0, $0xb8;
	[tilespmem:$0x9100] =	vst v63  }
0x6d: {  	_ =	swait.ge [sflag:s26], $0x9000  }
0x6e: {  	p0 =	sne.s32 s6, $0x1;
	[sflag:s26] =	ssyncset.done $0x0  }
.Ltmp0:
0x6f: {  	[sflag:s26] =	ssyncadd.s32 $0xFFFF7000;
	(pc) =	sbr.rel @p0 .LBB2_1-.Ltmp0, $4  }
0x70: {  	[hbm4b:s5+s3] =	stream.linear.scatter [tilespmem:s8], [sflag:$0x2], $0x9000, $0x38;
	[tilespmem:$0x9100] =	vst v63  }
0x71: {  	_ =	swait.ge [sflag:s7], $0x9000  }
0x72: {  	[sflag:s7] =	ssyncset.done $0x0  }
0x73: {  	s6 =	sadd.s32 $0xFFFFFFFF, s6;
	[sflag:s7] =	ssyncadd.s32 $0xFFFF7000  }
0x74: {  	_ =	sfence.sel $0x180000  }
0x75: {  	[bflag:$0x0] =	sbarrier.arrive $0xFFFF  }
0x76: {  	p0 =	sne.s32 s0, $0x0;
	_ =	strace $0x90000047  }
0x77: {  	s0 =	sadd.s32 @!p0 $0x100000, s1;
	[bflag:$0x2] =	sbarrier.arrive $0xFFFF  }
0x78: {  	[sflag:s0] =	ssyncadd.tile.s32 @!p0 $0x1;
	_ =	shalt  }
.Lfunc_end2:
_tile_overlayer_lowered:
.L_overlay_start_2:
0x79: {  	(tag) =	ssettag $0x2  }
0x7a: {  	s0 =	rddreg [dreg:$0x0];
	s2 =	stileid.u32  }
0x7b: {  	s1 =	rddreg [dreg:$0x1];
	p0 =	sne.s32 s2, $0x0  }
0x7c: {  	s3 =	rddreg [dreg:$0x2];
	[bflag:$0x3] =	sbarrier.arrive $0xFFFF;
	s2 =	simm.s32 @!p0 $0x1C02  }
0x7d: {  	[timem:s3], [sflag:s2] =	dma.local @!p0 [hbm:s0], s1  }
0x7e: {  	s0 =	simm.s32 @!p0 $0x2  }
0x7f: {  	_ =	swait.ge @!p0 [sflag:s0], s1  }
0x80: {  	s1 =	ssub.s32 @!p0 $0x0, s1;
	[sflag:s0] =	ssyncset.done @!p0 $0x0  }
0x81: {  	[sflag:s0] =	ssyncadd.s32 @!p0 s1  }
0x82: {  	[bflag:$0x3] =	sbarrier.arrive $0xFFFF  }
0x83: {  	_ =	shalt  }

</sc_bundles>
